<compile_context>
chip_gen: v7x
topology: tpu7x:2x2x1
jax: 0.10.2.dev20260603
libtpu: 0.0.44.dev20260713+nightly
codegen_flags: <defaults>
</compile_context>

<pallas_src>
import functools
import math

import jax
import jax.numpy as jnp
from jax import lax
from jax.experimental import pallas as pl
from jax.experimental.pallas import tpu as pltpu
from jax.experimental.pallas import tpu_sc as plsc

N = 16384
C = 256
K = 8
QB_KNN = 256
BIN = 128
QB_ATT = 128
RB_V = 512
CHK = 128
NW = 32


def _knn_body(q_ref, r_ref, idx_ref):
    q = q_ref[...]
    qx = q[:, 0:1]
    qy = q[:, 1:2]
    qz = q[:, 2:3]
    rx = r_ref[0:1, :]
    ry = r_ref[1:2, :]
    rz = r_ref[2:3, :]
    qsq = qx * qx + qy * qy + qz * qz
    rsq = rx * rx + ry * ry + rz * rz

    qm = (-2.0 * q).astype(jnp.bfloat16)
    rm = r_ref[...].astype(jnp.bfloat16)
    neg2cross = jax.lax.dot_general(
        qm, rm, (((1,), (0,)), ((), ())),
        preferred_element_type=jnp.float32)
    d = (qsq + neg2cross) + rsq

    NB = 128
    BI = N // NB
    d3 = d.reshape(QB_KNN, BI, NB)
    binmin = jnp.min(d3, axis=1)

    iota_b = lax.broadcasted_iota(jnp.int32, (QB_KNN, NB), 1)
    bm = binmin
    bcols = []
    for _ in range(K):
        m = jnp.min(bm, axis=1, keepdims=True)
        cand = jnp.where(bm == m, iota_b, NB)
        b = jnp.min(cand, axis=1, keepdims=True)
        bcols.append(b)
        bm = jnp.where(iota_b == b, jnp.inf, bm)
    bsel = jnp.concatenate(bcols, axis=1)

    bidx = jnp.broadcast_to(bsel[:, None, :], (QB_KNN, BI, K))
    cval = jnp.take_along_axis(d3, bidx, axis=2)
    cval = cval.reshape(QB_KNN, BI * K)
    bsel_pad = jnp.pad(bsel, ((0, 0), (0, NB - K)))
    iota_p = lax.broadcasted_iota(jnp.int32, (QB_KNN, BI * K), 1)
    bsel_rep = jnp.take_along_axis(bsel_pad, iota_p & (K - 1), axis=1)
    gidx = (iota_p >> 3) * NB + bsel_rep

    cols = []
    for _ in range(K):
        m = jnp.min(cval, axis=1, keepdims=True)
        cand = jnp.where(cval == m, gidx, N)
        a = jnp.min(cand, axis=1, keepdims=True)
        cols.append(a)
        cval = jnp.where(gidx == a, jnp.inf, cval)
    idx_ref[...] = jnp.concatenate(cols, axis=1)


def _knn(xyz_pred_p, xyz_refT_p):
    nq = xyz_pred_p.shape[0]
    grid = nq // QB_KNN
    return pl.pallas_call(
        _knn_body,
        grid=(grid,),
        in_specs=[
            pl.BlockSpec((QB_KNN, 8), lambda i: (i, 0)),
            pl.BlockSpec((8, N), lambda i: (0, 0)),
        ],
        out_specs=pl.BlockSpec((QB_KNN, K), lambda i: (i, 0)),
        out_shape=jax.ShapeDtypeStruct((nq, K), jnp.int32),
    )(xyz_pred_p, xyz_refT_p)


def _vraw_body(f_ref, w_ref, b_ref, o_ref):
    o_ref[...] = (
        jnp.dot(f_ref[...], w_ref[...], preferred_element_type=jnp.float32)
        + b_ref[...]
    )


def _vraw(feat_ref, WvT, Wv_b2):
    grid = N // RB_V
    return pl.pallas_call(
        _vraw_body,
        grid=(grid,),
        in_specs=[
            pl.BlockSpec((RB_V, C), lambda i: (i, 0)),
            pl.BlockSpec((C, C), lambda i: (0, 0)),
            pl.BlockSpec((1, C), lambda i: (0, 0)),
        ],
        out_specs=pl.BlockSpec((RB_V, C), lambda i: (i, 0)),
        out_shape=jax.ShapeDtypeStruct((N, C), jnp.float32),
    )(feat_ref, WvT, Wv_b2)


def _make_gather(nq):
    B = nq * K
    b_per_w = B // NW
    n_chunks = b_per_w // CHK
    mesh = plsc.VectorSubcoreMesh(core_axis_name="c", subcore_axis_name="s")

    @functools.partial(
        pl.kernel,
        mesh=mesh,
        out_type=[
            jax.ShapeDtypeStruct((B, C), jnp.float32),
            jax.ShapeDtypeStruct((B, C), jnp.float32),
        ],
        scratch_types=[
            pltpu.VMEM((b_per_w,), jnp.int32),
            pltpu.VMEM((CHK, C), jnp.float32),
            pltpu.VMEM((CHK, C), jnp.float32),
            pltpu.SemaphoreType.DMA,
            pltpu.SemaphoreType.DMA,
        ],
    )
    def gather(tab1, tab2, idx_hbm, out1, out2, idx_v, rows1, rows2, s1, s2):
        wid = lax.axis_index("s") * 2 + lax.axis_index("c")
        base = wid * b_per_w
        pltpu.sync_copy(idx_hbm.at[pl.ds(base, b_per_w)], idx_v)

        def body(c, carry):
            off = c * CHK
            idx_c = idx_v.at[pl.ds(off, CHK)]
            cp1 = pltpu.async_copy(tab1.at[idx_c], rows1, s1)
            cp2 = pltpu.async_copy(tab2.at[idx_c], rows2, s2)
            cp1.wait()
            cp2.wait()
            pltpu.sync_copy(rows1, out1.at[pl.ds(base + off, CHK)])
            pltpu.sync_copy(rows2, out2.at[pl.ds(base + off, CHK)])
            return carry

        lax.fori_loop(0, n_chunks, body, 0)

    return gather


def _attn_body(q_ref, kg_ref, vg_ref, woT_ref, bo_ref, wout_ref, bout_ref,
               o_ref):
    q = q_ref[...]
    kg = kg_ref[...]
    vg = vg_ref[...]
    scale = 1.0 / math.sqrt(C)
    logit_cols = []
    for j in range(K):
        kj = kg[:, j * C:(j + 1) * C]
        logit_cols.append(jnp.sum(q * kj, axis=1, keepdims=True) * scale)
    logits = jnp.concatenate(logit_cols, axis=1)
    m = jnp.max(logits, axis=1, keepdims=True)
    e = jnp.exp(logits - m)
    w = e / jnp.sum(e, axis=1, keepdims=True)
    pred = jnp.zeros_like(q)
    for j in range(K):
        pred = pred + w[:, j:j + 1] * vg[:, j * C:(j + 1) * C]
    pred = (
        jnp.dot(pred, woT_ref[...], preferred_element_type=jnp.float32)
        + bo_ref[...]
    )
    o_ref[...] = (
        jnp.dot(pred, wout_ref[...], preferred_element_type=jnp.float32)
        + bout_ref[...]
    )


def _attn(feat_pred, kg2, vg2, WoT, Wo_b2, Wout_w, Wout_b2):
    nq = feat_pred.shape[0]
    grid = nq // QB_ATT
    return pl.pallas_call(
        _attn_body,
        grid=(grid,),
        in_specs=[
            pl.BlockSpec((QB_ATT, C), lambda i: (i, 0)),
            pl.BlockSpec((QB_ATT, K * C), lambda i: (i, 0)),
            pl.BlockSpec((QB_ATT, K * C), lambda i: (i, 0)),
            pl.BlockSpec((C, C), lambda i: (0, 0)),
            pl.BlockSpec((1, C), lambda i: (0, 0)),
            pl.BlockSpec((C, C), lambda i: (0, 0)),
            pl.BlockSpec((1, C), lambda i: (0, 0)),
        ],
        out_specs=pl.BlockSpec((QB_ATT, C), lambda i: (i, 0)),
        out_shape=jax.ShapeDtypeStruct((nq, C), jnp.float32),
    )(feat_pred, kg2, vg2, WoT, Wo_b2, Wout_w, Wout_b2)


def kernel(xyz_pred, xyz_ref, feat_pred, feat_ref_coord, feat_ref,
           Wv_w, Wv_b, Wo_w, Wo_b, Wout_w, Wout_b):
    xyz_pred_p = jnp.pad(xyz_pred, ((0, 0), (0, 5)))
    xyz_refT_p = jnp.pad(xyz_ref.T, ((0, 5), (0, 0)))

    v_raw = _vraw(feat_ref, Wv_w.T, Wv_b[None, :])

    H = N // 2
    gather = _make_gather(H)
    WoT = Wo_w.T
    Wo_b2 = Wo_b[None, :]
    Wout_b2 = Wout_b[None, :]

    outs = []
    kgs = []
    for h in range(2):
        sl = slice(h * H, (h + 1) * H)
        idx = _knn(xyz_pred_p[sl], xyz_refT_p)
        kg, vg = gather(feat_ref_coord, v_raw, idx.reshape(H * K))
        kgs.append((kg.reshape(H, K * C), vg.reshape(H, K * C)))
    for h in range(2):
        sl = slice(h * H, (h + 1) * H)
        kg2, vg2 = kgs[h]
        outs.append(_attn(feat_pred[sl], kg2, vg2, WoT, Wo_b2,
                          Wout_w, Wout_b2))
    return jnp.concatenate(outs, axis=0)

# --- scband reference (transcript-rebuilt; emitter-appended) ---
"""Pipeline reference for scband-cross-attn-5763846111589 (READ-ONLY COPY).

The authoritative reference and input builder live on the scoring server;
editing this copy changes nothing except your own understanding.
"""

import jax, jax.numpy as jnp
import numpy as np
import math

N_PRED = 16384
N_REF = 16384
C = 256
K = 8
CHUNK = 2048


def knn_idx(xyz_ref, xyz_pred, k):
    # Brute-force KNN: for each query (pred) point, indices of k nearest ref points.
    ref_sq = jnp.sum(xyz_ref * xyz_ref, axis=-1)  # [N_ref]

    def chunk_fn(q_chunk):
        q_sq = jnp.sum(q_chunk * q_chunk, axis=-1, keepdims=True)  # [chunk,1]
        d = q_sq - 2.0 * (q_chunk @ xyz_ref.T) + ref_sq[None, :]   # [chunk, N_ref]
        _, idx = jax.lax.top_k(-d, k)
        return idx

    n = xyz_pred.shape[0]
    q = xyz_pred.reshape(n // CHUNK, CHUNK, xyz_pred.shape[-1])
    idx = jax.lax.map(chunk_fn, q)
    return idx.reshape(n, k)


def setup_inputs(seed: int = 0) -> dict:
    key = jax.random.key(seed)
    ks = jax.random.split(key, 12)
    xyz_pred = jax.random.normal(ks[0], (N_PRED, 3), dtype=jnp.float32)
    xyz_ref = jax.random.normal(ks[1], (N_REF, 3), dtype=jnp.float32)
    feat_pred = jax.random.normal(ks[2], (N_PRED, C), dtype=jnp.float32)
    feat_ref_coord = jax.random.normal(ks[3], (N_REF, C), dtype=jnp.float32)
    feat_ref = jax.random.normal(ks[4], (N_REF, C), dtype=jnp.float32)
    s = 1.0 / math.sqrt(C)
    Wv_w = jax.random.normal(ks[5], (C, C), dtype=jnp.float32) * s
    Wv_b = jnp.zeros((C,), dtype=jnp.float32)
    Wo_w = jax.random.normal(ks[6], (C, C), dtype=jnp.float32) * s
    Wo_b = jnp.zeros((C,), dtype=jnp.float32)
    Wout_w = jax.random.normal(ks[7], (C, C), dtype=jnp.float32) * s
    Wout_b = jnp.zeros((C,), dtype=jnp.float32)
    return {
        'xyz_pred': xyz_pred,
        'xyz_ref': xyz_ref,
        'feat_pred': feat_pred,
        'feat_ref_coord': feat_ref_coord,
        'feat_ref': feat_ref,
        'Wv_w': Wv_w, 'Wv_b': Wv_b,
        'Wo_w': Wo_w, 'Wo_b': Wo_b,
        'Wout_w': Wout_w, 'Wout_b': Wout_b,
    }


def reference(xyz_pred, xyz_ref, feat_pred, feat_ref_coord, feat_ref,
              Wv_w, Wv_b, Wo_w, Wo_b, Wout_w, Wout_b):
    # KNN search (no_grad in original)
    idx = knn_idx(xyz_ref, xyz_pred, K)  # [N_pred, K]

    # q: [N_pred, 1, C]
    q = feat_pred[:, None, :]
    # k: gather ref coord-features at knn indices -> [N_pred, K, C]
    k_g = jnp.take(feat_ref_coord, idx, axis=0)
    # v_raw = W_v (1x1 conv == linear): [N_ref, C]
    v_raw = feat_ref @ Wv_w.T + Wv_b
    v = jnp.take(v_raw, idx, axis=0)  # [N_pred, K, C]

    # attention scores [N_pred, 1, K]
    attn = jnp.einsum('nic,nkc->nik', q, k_g) / math.sqrt(C)
    attn = jax.nn.softmax(attn, axis=-1)
    pred = jnp.einsum('nik,nkc->nic', attn, v)[:, 0, :]  # [N_pred, C]

    # W_o (1x1 conv == linear)
    pred = pred @ Wo_w.T + Wo_b
    # W_out (Minkowski 1x1 conv == linear, kernel stored [in, out])
    out = pred @ Wout_w + Wout_b
    return out

if __name__ == "__main__":
    import jax
    _d = setup_inputs()
    print(jax.jit(kernel)(*tuple(_d.values())))

</pallas_src>

<mosaic_0001>
#map = affine_map<(d0, d1) -> (0, 0)>
#map1 = affine_map<(d0, d1) -> (0)>
module attributes {stable_mosaic.version = 14 : i64} {
  func.func @gather(%arg0: i32, %arg1: i32, %arg2: memref<16384x256xf32, #tpu.memory_space<hbm>>, %arg3: memref<16384x256xf32, #tpu.memory_space<hbm>>, %arg4: memref<65536xi32, #tpu.memory_space<hbm>>, %arg5: memref<65536x256xf32, #tpu.memory_space<hbm>>, %arg6: memref<65536x256xf32, #tpu.memory_space<hbm>>, %arg7: memref<2048xi32, #tpu.memory_space<vmem>>, %arg8: memref<128x256xf32, #tpu.memory_space<vmem>>, %arg9: memref<128x256xf32, #tpu.memory_space<vmem>>, %arg10: memref<!tpu.dma_semaphore, #tpu.memory_space<semaphore_mem>>, %arg11: memref<!tpu.dma_semaphore, #tpu.memory_space<semaphore_mem>>) attributes {dimension_semantics = [#tpu.dimension_semantics<core_parallel>, #tpu.dimension_semantics<subcore_parallel>], iteration_bounds = array<i64: 2, 16>, scalar_prefetch = 0 : i64, scratch_operands = 5 : i64, tpu.core_type = #tpu.core_type<sc_vector_subcore>, window_params = [{transform_indices = #map}, {transform_indices = #map}, {transform_indices = #map1}, {transform_indices = #map}, {transform_indices = #map}]} {
    %mul3A = arith.constant 2 : i32
    %mul3A_0 = arith.muli %arg1, %mul3A : i32
    %add3A = arith.addi %mul3A_0, %arg0 : i32
    %mul3A_1 = arith.constant 2048 : i32
    %mul3A_2 = arith.muli %add3A, %mul3A_1 : i32
    "tpu.region"() ({
      %run_scoped3A = tpu.sem_alloc : memref<!tpu.dma_semaphore, #tpu.memory_space<semaphore_mem>>
      %dma_start3A = tpu.memref_slice %arg4[%mul3A_2] : memref<65536xi32, #tpu.memory_space<hbm>> -> memref<2048xi32, #tpu.memory_space<hbm>>
      %dma_start3A_8 = tpu.memref_slice %arg4[%mul3A_2] : memref<65536xi32, #tpu.memory_space<hbm>> -> memref<2048xi32, #tpu.memory_space<hbm>>
      tpu.enqueue_dma source(%dma_start3A_8 : memref<2048xi32, #tpu.memory_space<hbm>>) target(%arg7 : memref<2048xi32, #tpu.memory_space<vmem>>) target_semaphore(%run_scoped3A : memref<!tpu.dma_semaphore, #tpu.memory_space<semaphore_mem>>)
      %dma_wait3A = tpu.memref_slice %arg4[%mul3A_2] : memref<65536xi32, #tpu.memory_space<hbm>> -> memref<2048xi32, #tpu.memory_space<hbm>>
      %dma_wait3A_9 = tpu.memref_slice %arg4[%mul3A_2] : memref<65536xi32, #tpu.memory_space<hbm>> -> memref<2048xi32, #tpu.memory_space<hbm>>
      tpu.wait_dma2 semaphore(%run_scoped3A : memref<!tpu.dma_semaphore, #tpu.memory_space<semaphore_mem>>) src(%dma_wait3A_9 : memref<2048xi32, #tpu.memory_space<hbm>>) dst(%arg7 : memref<2048xi32, #tpu.memory_space<vmem>>)
      tpu.yield
    }) : () -> ()
    %scan3A = arith.constant 0 : i32
    %scan3A_3 = arith.constant 0 : i32
    %scan3A_4 = arith.constant 16 : i32
    %scan3A_5 = arith.addi %scan3A_3, %scan3A_4 : i32
    %scan3A_6 = arith.constant 1 : i32
    scf.for %scan3A_8 = %scan3A_3 to %scan3A_5 step %scan3A_6  : i32 {
      %mul3A_9 = arith.constant 128 : i32
      %mul3A_10 = arith.muli %scan3A_8, %mul3A_9 : i32
      %dma_start3A = tpu.memref_slice %arg7[%mul3A_10] : memref<2048xi32, #tpu.memory_space<vmem>> -> memref<128xi32, #tpu.memory_space<vmem>>
      %dma_start3A_11 = arith.constant 0 : i32
      %dma_start3A_12 = arith.constant 0 : i32
      %dma_start3A_13 = tpu.memref_slice %arg2[%dma_start3A_11, %dma_start3A_12] : memref<16384x256xf32, #tpu.memory_space<hbm>> -> memref<16384x256xf32, #tpu.memory_space<hbm>>
      tpu.enqueue_indirect_dma source(%dma_start3A_13 : memref<16384x256xf32, #tpu.memory_space<hbm>>) target(%arg8 : memref<128x256xf32, #tpu.memory_space<vmem>>) offsets(%dma_start3A : memref<128xi32, #tpu.memory_space<vmem>>) semaphore(%arg10 : memref<!tpu.dma_semaphore, #tpu.memory_space<semaphore_mem>>)
      %dma_start3A_14 = tpu.memref_slice %arg7[%mul3A_10] : memref<2048xi32, #tpu.memory_space<vmem>> -> memref<128xi32, #tpu.memory_space<vmem>>
      %dma_start3A_15 = arith.constant 0 : i32
      %dma_start3A_16 = arith.constant 0 : i32
      %dma_start3A_17 = tpu.memref_slice %arg3[%dma_start3A_15, %dma_start3A_16] : memref<16384x256xf32, #tpu.memory_space<hbm>> -> memref<16384x256xf32, #tpu.memory_space<hbm>>
      tpu.enqueue_indirect_dma source(%dma_start3A_17 : memref<16384x256xf32, #tpu.memory_space<hbm>>) target(%arg9 : memref<128x256xf32, #tpu.memory_space<vmem>>) offsets(%dma_start3A_14 : memref<128xi32, #tpu.memory_space<vmem>>) semaphore(%arg11 : memref<!tpu.dma_semaphore, #tpu.memory_space<semaphore_mem>>)
      %dma_wait3A = tpu.memref_slice %arg7[%mul3A_10] : memref<2048xi32, #tpu.memory_space<vmem>> -> memref<128xi32, #tpu.memory_space<vmem>>
      %dma_wait3A_18 = arith.constant 0 : i32
      %dma_wait3A_19 = arith.constant 0 : i32
      %dma_wait3A_20 = tpu.memref_slice %arg2[%dma_wait3A_18, %dma_wait3A_19] : memref<16384x256xf32, #tpu.memory_space<hbm>> -> memref<16384x256xf32, #tpu.memory_space<hbm>>
      tpu.wait_indirect_dma semaphore(%arg10 : memref<!tpu.dma_semaphore, #tpu.memory_space<semaphore_mem>>) src(%dma_wait3A_20 : memref<16384x256xf32, #tpu.memory_space<hbm>>) dst(%arg8 : memref<128x256xf32, #tpu.memory_space<vmem>>)
      %dma_wait3A_21 = tpu.memref_slice %arg7[%mul3A_10] : memref<2048xi32, #tpu.memory_space<vmem>> -> memref<128xi32, #tpu.memory_space<vmem>>
      %dma_wait3A_22 = arith.constant 0 : i32
      %dma_wait3A_23 = arith.constant 0 : i32
      %dma_wait3A_24 = tpu.memref_slice %arg3[%dma_wait3A_22, %dma_wait3A_23] : memref<16384x256xf32, #tpu.memory_space<hbm>> -> memref<16384x256xf32, #tpu.memory_space<hbm>>
      tpu.wait_indirect_dma semaphore(%arg11 : memref<!tpu.dma_semaphore, #tpu.memory_space<semaphore_mem>>) src(%dma_wait3A_24 : memref<16384x256xf32, #tpu.memory_space<hbm>>) dst(%arg9 : memref<128x256xf32, #tpu.memory_space<vmem>>)
      %add3A_25 = arith.addi %mul3A_2, %mul3A_10 : i32
      "tpu.region"() ({
        %run_scoped3A = tpu.sem_alloc : memref<!tpu.dma_semaphore, #tpu.memory_space<semaphore_mem>>
        %dma_start3A_27 = arith.constant 0 : i32
        %dma_start3A_28 = tpu.memref_slice %arg5[%add3A_25, %dma_start3A_27] : memref<65536x256xf32, #tpu.memory_space<hbm>> -> memref<128x256xf32, #tpu.memory_space<hbm>>
        %dma_start3A_29 = arith.constant 0 : i32
        %dma_start3A_30 = tpu.memref_slice %arg5[%add3A_25, %dma_start3A_29] : memref<65536x256xf32, #tpu.memory_space<hbm>> -> memref<128x256xf32, #tpu.memory_space<hbm>>
        tpu.enqueue_dma source(%arg8 : memref<128x256xf32, #tpu.memory_space<vmem>>) target(%dma_start3A_30 : memref<128x256xf32, #tpu.memory_space<hbm>>) target_semaphore(%run_scoped3A : memref<!tpu.dma_semaphore, #tpu.memory_space<semaphore_mem>>)
        %dma_wait3A_31 = arith.constant 0 : i32
        %dma_wait3A_32 = tpu.memref_slice %arg5[%add3A_25, %dma_wait3A_31] : memref<65536x256xf32, #tpu.memory_space<hbm>> -> memref<128x256xf32, #tpu.memory_space<hbm>>
        %dma_wait3A_33 = arith.constant 0 : i32
        %dma_wait3A_34 = tpu.memref_slice %arg5[%add3A_25, %dma_wait3A_33] : memref<65536x256xf32, #tpu.memory_space<hbm>> -> memref<128x256xf32, #tpu.memory_space<hbm>>
        tpu.wait_dma2 semaphore(%run_scoped3A : memref<!tpu.dma_semaphore, #tpu.memory_space<semaphore_mem>>) src(%arg8 : memref<128x256xf32, #tpu.memory_space<vmem>>) dst(%dma_wait3A_34 : memref<128x256xf32, #tpu.memory_space<hbm>>)
        tpu.yield
      }) : () -> ()
      %add3A_26 = arith.addi %mul3A_2, %mul3A_10 : i32
      "tpu.region"() ({
        %run_scoped3A = tpu.sem_alloc : memref<!tpu.dma_semaphore, #tpu.memory_space<semaphore_mem>>
        %dma_start3A_27 = arith.constant 0 : i32
        %dma_start3A_28 = tpu.memref_slice %arg6[%add3A_26, %dma_start3A_27] : memref<65536x256xf32, #tpu.memory_space<hbm>> -> memref<128x256xf32, #tpu.memory_space<hbm>>
        %dma_start3A_29 = arith.constant 0 : i32
        %dma_start3A_30 = tpu.memref_slice %arg6[%add3A_26, %dma_start3A_29] : memref<65536x256xf32, #tpu.memory_space<hbm>> -> memref<128x256xf32, #tpu.memory_space<hbm>>
        tpu.enqueue_dma source(%arg9 : memref<128x256xf32, #tpu.memory_space<vmem>>) target(%dma_start3A_30 : memref<128x256xf32, #tpu.memory_space<hbm>>) target_semaphore(%run_scoped3A : memref<!tpu.dma_semaphore, #tpu.memory_space<semaphore_mem>>)
        %dma_wait3A_31 = arith.constant 0 : i32
        %dma_wait3A_32 = tpu.memref_slice %arg6[%add3A_26, %dma_wait3A_31] : memref<65536x256xf32, #tpu.memory_space<hbm>> -> memref<128x256xf32, #tpu.memory_space<hbm>>
        %dma_wait3A_33 = arith.constant 0 : i32
        %dma_wait3A_34 = tpu.memref_slice %arg6[%add3A_26, %dma_wait3A_33] : memref<65536x256xf32, #tpu.memory_space<hbm>> -> memref<128x256xf32, #tpu.memory_space<hbm>>
        tpu.wait_dma2 semaphore(%run_scoped3A : memref<!tpu.dma_semaphore, #tpu.memory_space<semaphore_mem>>) src(%arg9 : memref<128x256xf32, #tpu.memory_space<vmem>>) dst(%dma_wait3A_34 : memref<128x256xf32, #tpu.memory_space<hbm>>)
        tpu.yield
      }) : () -> ()
    }
    %scan3A_7 = arith.constant 16 : i32
    return
  }
}

#map = affine_map<(d0, d1) -> (0, 0)>
#map1 = affine_map<(d0, d1) -> (0)>
module attributes {stable_mosaic.version = 14 : i64} {
  func.func @gather(%arg0: i32, %arg1: i32, %arg2: memref<16384x256xf32, #tpu.memory_space<hbm>>, %arg3: memref<16384x256xf32, #tpu.memory_space<hbm>>, %arg4: memref<65536xi32, #tpu.memory_space<hbm>>, %arg5: memref<65536x256xf32, #tpu.memory_space<hbm>>, %arg6: memref<65536x256xf32, #tpu.memory_space<hbm>>, %arg7: memref<2048xi32, #tpu.memory_space<vmem>>, %arg8: memref<128x256xf32, #tpu.memory_space<vmem>>, %arg9: memref<128x256xf32, #tpu.memory_space<vmem>>, %arg10: memref<!tpu.dma_semaphore, #tpu.memory_space<semaphore_mem>>, %arg11: memref<!tpu.dma_semaphore, #tpu.memory_space<semaphore_mem>>) attributes {dimension_semantics = [#tpu.dimension_semantics<core_parallel>, #tpu.dimension_semantics<subcore_parallel>], iteration_bounds = array<i64: 2, 16>, scalar_prefetch = 0 : i64, scratch_operands = 5 : i64, tpu.core_type = #tpu.core_type<sc_vector_subcore>, window_params = [{transform_indices = #map}, {transform_indices = #map}, {transform_indices = #map1}, {transform_indices = #map}, {transform_indices = #map}]} {
    %mul3A = arith.constant 2 : i32
    %mul3A_0 = arith.muli %arg1, %mul3A : i32
    %add3A = arith.addi %mul3A_0, %arg0 : i32
    %mul3A_1 = arith.constant 2048 : i32
    %mul3A_2 = arith.muli %add3A, %mul3A_1 : i32
    "tpu.region"() ({
      %run_scoped3A = tpu.sem_alloc : memref<!tpu.dma_semaphore, #tpu.memory_space<semaphore_mem>>
      %dma_start3A = tpu.memref_slice %arg4[%mul3A_2] : memref<65536xi32, #tpu.memory_space<hbm>> -> memref<2048xi32, #tpu.memory_space<hbm>>
      %dma_start3A_8 = tpu.memref_slice %arg4[%mul3A_2] : memref<65536xi32, #tpu.memory_space<hbm>> -> memref<2048xi32, #tpu.memory_space<hbm>>
      tpu.enqueue_dma source(%dma_start3A_8 : memref<2048xi32, #tpu.memory_space<hbm>>) target(%arg7 : memref<2048xi32, #tpu.memory_space<vmem>>) target_semaphore(%run_scoped3A : memref<!tpu.dma_semaphore, #tpu.memory_space<semaphore_mem>>)
      %dma_wait3A = tpu.memref_slice %arg4[%mul3A_2] : memref<65536xi32, #tpu.memory_space<hbm>> -> memref<2048xi32, #tpu.memory_space<hbm>>
      %dma_wait3A_9 = tpu.memref_slice %arg4[%mul3A_2] : memref<65536xi32, #tpu.memory_space<hbm>> -> memref<2048xi32, #tpu.memory_space<hbm>>
      tpu.wait_dma2 semaphore(%run_scoped3A : memref<!tpu.dma_semaphore, #tpu.memory_space<semaphore_mem>>) src(%dma_wait3A_9 : memref<2048xi32, #tpu.memory_space<hbm>>) dst(%arg7 : memref<2048xi32, #tpu.memory_space<vmem>>)
      tpu.yield
    }) : () -> ()
    %scan3A = arith.constant 0 : i32
    %scan3A_3 = arith.constant 0 : i32
    %scan3A_4 = arith.constant 16 : i32
    %scan3A_5 = arith.addi %scan3A_3, %scan3A_4 : i32
    %scan3A_6 = arith.constant 1 : i32
    scf.for %scan3A_8 = %scan3A_3 to %scan3A_5 step %scan3A_6  : i32 {
      %mul3A_9 = arith.constant 128 : i32
      %mul3A_10 = arith.muli %scan3A_8, %mul3A_9 : i32
      %dma_start3A = tpu.memref_slice %arg7[%mul3A_10] : memref<2048xi32, #tpu.memory_space<vmem>> -> memref<128xi32, #tpu.memory_space<vmem>>
      %dma_start3A_11 = arith.constant 0 : i32
      %dma_start3A_12 = arith.constant 0 : i32
      %dma_start3A_13 = tpu.memref_slice %arg2[%dma_start3A_11, %dma_start3A_12] : memref<16384x256xf32, #tpu.memory_space<hbm>> -> memref<16384x256xf32, #tpu.memory_space<hbm>>
      tpu.enqueue_indirect_dma source(%dma_start3A_13 : memref<16384x256xf32, #tpu.memory_space<hbm>>) target(%arg8 : memref<128x256xf32, #tpu.memory_space<vmem>>) offsets(%dma_start3A : memref<128xi32, #tpu.memory_space<vmem>>) semaphore(%arg10 : memref<!tpu.dma_semaphore, #tpu.memory_space<semaphore_mem>>)
      %dma_start3A_14 = tpu.memref_slice %arg7[%mul3A_10] : memref<2048xi32, #tpu.memory_space<vmem>> -> memref<128xi32, #tpu.memory_space<vmem>>
      %dma_start3A_15 = arith.constant 0 : i32
      %dma_start3A_16 = arith.constant 0 : i32
      %dma_start3A_17 = tpu.memref_slice %arg3[%dma_start3A_15, %dma_start3A_16] : memref<16384x256xf32, #tpu.memory_space<hbm>> -> memref<16384x256xf32, #tpu.memory_space<hbm>>
      tpu.enqueue_indirect_dma source(%dma_start3A_17 : memref<16384x256xf32, #tpu.memory_space<hbm>>) target(%arg9 : memref<128x256xf32, #tpu.memory_space<vmem>>) offsets(%dma_start3A_14 : memref<128xi32, #tpu.memory_space<vmem>>) semaphore(%arg11 : memref<!tpu.dma_semaphore, #tpu.memory_space<semaphore_mem>>)
      %dma_wait3A = tpu.memref_slice %arg7[%mul3A_10] : memref<2048xi32, #tpu.memory_space<vmem>> -> memref<128xi32, #tpu.memory_space<vmem>>
      %dma_wait3A_18 = arith.constant 0 : i32
      %dma_wait3A_19 = arith.constant 0 : i32
      %dma_wait3A_20 = tpu.memref_slice %arg2[%dma_wait3A_18, %dma_wait3A_19] : memref<16384x256xf32, #tpu.memory_space<hbm>> -> memref<16384x256xf32, #tpu.memory_space<hbm>>
      tpu.wait_indirect_dma semaphore(%arg10 : memref<!tpu.dma_semaphore, #tpu.memory_space<semaphore_mem>>) src(%dma_wait3A_20 : memref<16384x256xf32, #tpu.memory_space<hbm>>) dst(%arg8 : memref<128x256xf32, #tpu.memory_space<vmem>>)
      %dma_wait3A_21 = tpu.memref_slice %arg7[%mul3A_10] : memref<2048xi32, #tpu.memory_space<vmem>> -> memref<128xi32, #tpu.memory_space<vmem>>
      %dma_wait3A_22 = arith.constant 0 : i32
      %dma_wait3A_23 = arith.constant 0 : i32
      %dma_wait3A_24 = tpu.memref_slice %arg3[%dma_wait3A_22, %dma_wait3A_23] : memref<16384x256xf32, #tpu.memory_space<hbm>> -> memref<16384x256xf32, #tpu.memory_space<hbm>>
      tpu.wait_indirect_dma semaphore(%arg11 : memref<!tpu.dma_semaphore, #tpu.memory_space<semaphore_mem>>) src(%dma_wait3A_24 : memref<16384x256xf32, #tpu.memory_space<hbm>>) dst(%arg9 : memref<128x256xf32, #tpu.memory_space<vmem>>)
      %add3A_25 = arith.addi %mul3A_2, %mul3A_10 : i32
      "tpu.region"() ({
        %run_scoped3A = tpu.sem_alloc : memref<!tpu.dma_semaphore, #tpu.memory_space<semaphore_mem>>
        %dma_start3A_27 = arith.constant 0 : i32
        %dma_start3A_28 = tpu.memref_slice %arg5[%add3A_25, %dma_start3A_27] : memref<65536x256xf32, #tpu.memory_space<hbm>> -> memref<128x256xf32, #tpu.memory_space<hbm>>
        %dma_start3A_29 = arith.constant 0 : i32
        %dma_start3A_30 = tpu.memref_slice %arg5[%add3A_25, %dma_start3A_29] : memref<65536x256xf32, #tpu.memory_space<hbm>> -> memref<128x256xf32, #tpu.memory_space<hbm>>
        tpu.enqueue_dma source(%arg8 : memref<128x256xf32, #tpu.memory_space<vmem>>) target(%dma_start3A_30 : memref<128x256xf32, #tpu.memory_space<hbm>>) target_semaphore(%run_scoped3A : memref<!tpu.dma_semaphore, #tpu.memory_space<semaphore_mem>>)
        %dma_wait3A_31 = arith.constant 0 : i32
        %dma_wait3A_32 = tpu.memref_slice %arg5[%add3A_25, %dma_wait3A_31] : memref<65536x256xf32, #tpu.memory_space<hbm>> -> memref<128x256xf32, #tpu.memory_space<hbm>>
        %dma_wait3A_33 = arith.constant 0 : i32
        %dma_wait3A_34 = tpu.memref_slice %arg5[%add3A_25, %dma_wait3A_33] : memref<65536x256xf32, #tpu.memory_space<hbm>> -> memref<128x256xf32, #tpu.memory_space<hbm>>
        tpu.wait_dma2 semaphore(%run_scoped3A : memref<!tpu.dma_semaphore, #tpu.memory_space<semaphore_mem>>) src(%arg8 : memref<128x256xf32, #tpu.memory_space<vmem>>) dst(%dma_wait3A_34 : memref<128x256xf32, #tpu.memory_space<hbm>>)
        tpu.yield
      }) : () -> ()
      %add3A_26 = arith.addi %mul3A_2, %mul3A_10 : i32
      "tpu.region"() ({
        %run_scoped3A = tpu.sem_alloc : memref<!tpu.dma_semaphore, #tpu.memory_space<semaphore_mem>>
        %dma_start3A_27 = arith.constant 0 : i32
        %dma_start3A_28 = tpu.memref_slice %arg6[%add3A_26, %dma_start3A_27] : memref<65536x256xf32, #tpu.memory_space<hbm>> -> memref<128x256xf32, #tpu.memory_space<hbm>>
        %dma_start3A_29 = arith.constant 0 : i32
        %dma_start3A_30 = tpu.memref_slice %arg6[%add3A_26, %dma_start3A_29] : memref<65536x256xf32, #tpu.memory_space<hbm>> -> memref<128x256xf32, #tpu.memory_space<hbm>>
        tpu.enqueue_dma source(%arg9 : memref<128x256xf32, #tpu.memory_space<vmem>>) target(%dma_start3A_30 : memref<128x256xf32, #tpu.memory_space<hbm>>) target_semaphore(%run_scoped3A : memref<!tpu.dma_semaphore, #tpu.memory_space<semaphore_mem>>)
        %dma_wait3A_31 = arith.constant 0 : i32
        %dma_wait3A_32 = tpu.memref_slice %arg6[%add3A_26, %dma_wait3A_31] : memref<65536x256xf32, #tpu.memory_space<hbm>> -> memref<128x256xf32, #tpu.memory_space<hbm>>
        %dma_wait3A_33 = arith.constant 0 : i32
        %dma_wait3A_34 = tpu.memref_slice %arg6[%add3A_26, %dma_wait3A_33] : memref<65536x256xf32, #tpu.memory_space<hbm>> -> memref<128x256xf32, #tpu.memory_space<hbm>>
        tpu.wait_dma2 semaphore(%run_scoped3A : memref<!tpu.dma_semaphore, #tpu.memory_space<semaphore_mem>>) src(%arg9 : memref<128x256xf32, #tpu.memory_space<vmem>>) dst(%dma_wait3A_34 : memref<128x256xf32, #tpu.memory_space<hbm>>)
        tpu.yield
      }) : () -> ()
    }
    %scan3A_7 = arith.constant 16 : i32
    return
  }
}

module attributes {stable_mosaic.version = 14 : i64} {
  func.func @_knn_body(%arg0: i32, %arg1: memref<256x8xf32, #tpu.memory_space<vmem>>, %arg2: memref<8x16384xf32, #tpu.memory_space<vmem>>, %arg3: memref<256x8xi32, #tpu.memory_space<vmem>>) attributes {dimension_semantics = [#tpu.dimension_semantics<arbitrary>], iteration_bounds = array<i64: 32>, scalar_prefetch = 0 : i64, scratch_operands = 0 : i64, tpu.core_type = #tpu.core_type<tc>, window_params = [{transform_indices = @transform_0, window_bounds = array<i64: 256, 8>}, {pipeline_mode = #tpu.pipeline_mode<synchronous>, transform_indices = @transform_1, window_bounds = array<i64: 8, 16384>}, {transform_indices = @transform_2, window_bounds = array<i64: 256, 8>}]} {
    %get3A = arith.constant 0 : index
    %get3A_0 = arith.constant 0 : index
    %get3A_1 = vector.load %arg1[%get3A, %get3A_0] : memref<256x8xf32, #tpu.memory_space<vmem>>, vector<256x8xf32>
    %slice3A = vector.extract_strided_slice %get3A_1 {offsets = [0, 0], sizes = [256, 1], strides = [1, 1]} : vector<256x8xf32> to vector<256x1xf32>
    %slice3A_2 = vector.extract_strided_slice %get3A_1 {offsets = [0, 1], sizes = [256, 1], strides = [1, 1]} : vector<256x8xf32> to vector<256x1xf32>
    %slice3A_3 = vector.extract_strided_slice %get3A_1 {offsets = [0, 2], sizes = [256, 1], strides = [1, 1]} : vector<256x8xf32> to vector<256x1xf32>
    %get3A_4 = arith.constant 0 : index
    %get3A_5 = arith.constant 0 : index
    %get3A_6 = vector.load %arg2[%get3A_4, %get3A_5] : memref<8x16384xf32, #tpu.memory_space<vmem>>, vector<1x16384xf32>
    %get3A_7 = arith.constant 1 : index
    %get3A_8 = arith.constant 0 : index
    %get3A_9 = vector.load %arg2[%get3A_7, %get3A_8] : memref<8x16384xf32, #tpu.memory_space<vmem>>, vector<1x16384xf32>
    %get3A_10 = arith.constant 2 : index
    %get3A_11 = arith.constant 0 : index
    %get3A_12 = vector.load %arg2[%get3A_10, %get3A_11] : memref<8x16384xf32, #tpu.memory_space<vmem>>, vector<1x16384xf32>
    %mul3A = arith.mulf %slice3A, %slice3A : vector<256x1xf32>
    %mul3A_13 = arith.mulf %slice3A_2, %slice3A_2 : vector<256x1xf32>
    %add3A = arith.addf %mul3A, %mul3A_13 : vector<256x1xf32>
    %mul3A_14 = arith.mulf %slice3A_3, %slice3A_3 : vector<256x1xf32>
    %add3A_15 = arith.addf %add3A, %mul3A_14 : vector<256x1xf32>
    %mul3A_16 = arith.mulf %get3A_6, %get3A_6 : vector<1x16384xf32>
    %mul3A_17 = arith.mulf %get3A_9, %get3A_9 : vector<1x16384xf32>
    %add3A_18 = arith.addf %mul3A_16, %mul3A_17 : vector<1x16384xf32>
    %mul3A_19 = arith.mulf %get3A_12, %get3A_12 : vector<1x16384xf32>
    %add3A_20 = arith.addf %add3A_18, %mul3A_19 : vector<1x16384xf32>
    %mul3A_21 = arith.constant -2.000000e+00 : f32
    %mul3A_22 = vector.broadcast %mul3A_21 : f32 to vector<256x8xf32>
    %mul3A_23 = arith.mulf %mul3A_22, %get3A_1 : vector<256x8xf32>
    %convert_element_type3A = arith.truncf %mul3A_23 : vector<256x8xf32> to vector<256x8xbf16>
    %get3A_24 = arith.constant 0 : index
    %get3A_25 = arith.constant 0 : index
    %get3A_26 = vector.load %arg2[%get3A_24, %get3A_25] : memref<8x16384xf32, #tpu.memory_space<vmem>>, vector<8x16384xf32>
    %convert_element_type3A_27 = arith.truncf %get3A_26 : vector<8x16384xf32> to vector<8x16384xbf16>
    %dot_general3A = arith.constant dense<0.000000e+00> : vector<256x16384xf32>
    %dot_general3A_28 = tpu.matmul %convert_element_type3A, %convert_element_type3A_27, %dot_general3A {dimension_numbers = #tpu.dot_dimension_numbers<[1], [0], [0], [1], [0, 0, 1, 1], [], []>, transpose_lhs_hint = false} : vector<256x8xbf16>, vector<8x16384xbf16>, vector<256x16384xf32> -> vector<256x16384xf32>
    %add3A_29 = vector.broadcast %add3A_15 : vector<256x1xf32> to vector<256x16384xf32>
    %add3A_30 = arith.addf %add3A_29, %dot_general3A_28 : vector<256x16384xf32>
    %add3A_31 = vector.broadcast %add3A_20 : vector<1x16384xf32> to vector<256x16384xf32>
    %add3A_32 = arith.addf %add3A_30, %add3A_31 : vector<256x16384xf32>
    %reshape3A = vector.shape_cast %add3A_32 : vector<256x16384xf32> to vector<256x128x128xf32>
    %reduce_min3A = arith.constant dense<0x7F800000> : vector<256x128xf32>
    %reduce_min3A_33 = vector.multi_reduction <minimumf>, %reshape3A, %reduce_min3A [1] : vector<256x128x128xf32> to vector<256x128xf32>
    %iota3A = tpu.iota {dimensions = array<i32: 1>} : vector<256x128xi32>
    %reduce_min3A_34 = arith.constant dense<0x7F800000> : vector<256xf32>
    %reduce_min3A_35 = vector.multi_reduction <minimumf>, %reduce_min3A_33, %reduce_min3A_34 [1] : vector<256x128xf32> to vector<256xf32>
    %broadcast_in_dim3A = vector.shape_cast %reduce_min3A_35 : vector<256xf32> to vector<256x1xf32>
    %eq3A = vector.broadcast %broadcast_in_dim3A : vector<256x1xf32> to vector<256x128xf32>
    %eq3A_36 = arith.cmpf oeq, %reduce_min3A_33, %eq3A : vector<256x128xf32>
    %jit3A = arith.constant 128 : i32
    %broadcast_in_dim3A_37 = vector.broadcast %jit3A : i32 to vector<256x128xi32>
    %select_n3A = arith.select %eq3A_36, %iota3A, %broadcast_in_dim3A_37 : vector<256x128xi1>, vector<256x128xi32>
    %reduce_min3A_38 = arith.constant dense<2147483647> : vector<256xi32>
    %reduce_min3A_39 = vector.multi_reduction <minsi>, %select_n3A, %reduce_min3A_38 [1] : vector<256x128xi32> to vector<256xi32>
    %broadcast_in_dim3A_40 = vector.shape_cast %reduce_min3A_39 : vector<256xi32> to vector<256x1xi32>
    %eq3A_41 = vector.broadcast %broadcast_in_dim3A_40 : vector<256x1xi32> to vector<256x128xi32>
    %eq3A_42 = arith.cmpi eq, %iota3A, %eq3A_41 : vector<256x128xi32>
    %jit3A_43 = arith.constant 0x7F800000 : f32
    %broadcast_in_dim3A_44 = vector.broadcast %jit3A_43 : f32 to vector<256x128xf32>
    %select_n3A_45 = arith.select %eq3A_42, %broadcast_in_dim3A_44, %reduce_min3A_33 : vector<256x128xi1>, vector<256x128xf32>
    %reduce_min3A_46 = arith.constant dense<0x7F800000> : vector<256xf32>
    %reduce_min3A_47 = vector.multi_reduction <minimumf>, %select_n3A_45, %reduce_min3A_46 [1] : vector<256x128xf32> to vector<256xf32>
    %broadcast_in_dim3A_48 = vector.shape_cast %reduce_min3A_47 : vector<256xf32> to vector<256x1xf32>
    %eq3A_49 = vector.broadcast %broadcast_in_dim3A_48 : vector<256x1xf32> to vector<256x128xf32>
    %eq3A_50 = arith.cmpf oeq, %select_n3A_45, %eq3A_49 : vector<256x128xf32>
    %jit3A_51 = arith.constant 128 : i32
    %broadcast_in_dim3A_52 = vector.broadcast %jit3A_51 : i32 to vector<256x128xi32>
    %select_n3A_53 = arith.select %eq3A_50, %iota3A, %broadcast_in_dim3A_52 : vector<256x128xi1>, vector<256x128xi32>
    %reduce_min3A_54 = arith.constant dense<2147483647> : vector<256xi32>
    %reduce_min3A_55 = vector.multi_reduction <minsi>, %select_n3A_53, %reduce_min3A_54 [1] : vector<256x128xi32> to vector<256xi32>
    %broadcast_in_dim3A_56 = vector.shape_cast %reduce_min3A_55 : vector<256xi32> to vector<256x1xi32>
    %eq3A_57 = vector.broadcast %broadcast_in_dim3A_56 : vector<256x1xi32> to vector<256x128xi32>
    %eq3A_58 = arith.cmpi eq, %iota3A, %eq3A_57 : vector<256x128xi32>
    %jit3A_59 = arith.constant 0x7F800000 : f32
    %broadcast_in_dim3A_60 = vector.broadcast %jit3A_59 : f32 to vector<256x128xf32>
    %select_n3A_61 = arith.select %eq3A_58, %broadcast_in_dim3A_60, %select_n3A_45 : vector<256x128xi1>, vector<256x128xf32>
    %reduce_min3A_62 = arith.constant dense<0x7F800000> : vector<256xf32>
    %reduce_min3A_63 = vector.multi_reduction <minimumf>, %select_n3A_61, %reduce_min3A_62 [1] : vector<256x128xf32> to vector<256xf32>
    %broadcast_in_dim3A_64 = vector.shape_cast %reduce_min3A_63 : vector<256xf32> to vector<256x1xf32>
    %eq3A_65 = vector.broadcast %broadcast_in_dim3A_64 : vector<256x1xf32> to vector<256x128xf32>
    %eq3A_66 = arith.cmpf oeq, %select_n3A_61, %eq3A_65 : vector<256x128xf32>
    %jit3A_67 = arith.constant 128 : i32
    %broadcast_in_dim3A_68 = vector.broadcast %jit3A_67 : i32 to vector<256x128xi32>
    %select_n3A_69 = arith.select %eq3A_66, %iota3A, %broadcast_in_dim3A_68 : vector<256x128xi1>, vector<256x128xi32>
    %reduce_min3A_70 = arith.constant dense<2147483647> : vector<256xi32>
    %reduce_min3A_71 = vector.multi_reduction <minsi>, %select_n3A_69, %reduce_min3A_70 [1] : vector<256x128xi32> to vector<256xi32>
    %broadcast_in_dim3A_72 = vector.shape_cast %reduce_min3A_71 : vector<256xi32> to vector<256x1xi32>
    %eq3A_73 = vector.broadcast %broadcast_in_dim3A_72 : vector<256x1xi32> to vector<256x128xi32>
    %eq3A_74 = arith.cmpi eq, %iota3A, %eq3A_73 : vector<256x128xi32>
    %jit3A_75 = arith.constant 0x7F800000 : f32
    %broadcast_in_dim3A_76 = vector.broadcast %jit3A_75 : f32 to vector<256x128xf32>
    %select_n3A_77 = arith.select %eq3A_74, %broadcast_in_dim3A_76, %select_n3A_61 : vector<256x128xi1>, vector<256x128xf32>
    %reduce_min3A_78 = arith.constant dense<0x7F800000> : vector<256xf32>
    %reduce_min3A_79 = vector.multi_reduction <minimumf>, %select_n3A_77, %reduce_min3A_78 [1] : vector<256x128xf32> to vector<256xf32>
    %broadcast_in_dim3A_80 = vector.shape_cast %reduce_min3A_79 : vector<256xf32> to vector<256x1xf32>
    %eq3A_81 = vector.broadcast %broadcast_in_dim3A_80 : vector<256x1xf32> to vector<256x128xf32>
    %eq3A_82 = arith.cmpf oeq, %select_n3A_77, %eq3A_81 : vector<256x128xf32>
    %jit3A_83 = arith.constant 128 : i32
    %broadcast_in_dim3A_84 = vector.broadcast %jit3A_83 : i32 to vector<256x128xi32>
    %select_n3A_85 = arith.select %eq3A_82, %iota3A, %broadcast_in_dim3A_84 : vector<256x128xi1>, vector<256x128xi32>
    %reduce_min3A_86 = arith.constant dense<2147483647> : vector<256xi32>
    %reduce_min3A_87 = vector.multi_reduction <minsi>, %select_n3A_85, %reduce_min3A_86 [1] : vector<256x128xi32> to vector<256xi32>
    %broadcast_in_dim3A_88 = vector.shape_cast %reduce_min3A_87 : vector<256xi32> to vector<256x1xi32>
    %eq3A_89 = vector.broadcast %broadcast_in_dim3A_88 : vector<256x1xi32> to vector<256x128xi32>
    %eq3A_90 = arith.cmpi eq, %iota3A, %eq3A_89 : vector<256x128xi32>
    %jit3A_91 = arith.constant 0x7F800000 : f32
    %broadcast_in_dim3A_92 = vector.broadcast %jit3A_91 : f32 to vector<256x128xf32>
    %select_n3A_93 = arith.select %eq3A_90, %broadcast_in_dim3A_92, %select_n3A_77 : vector<256x128xi1>, vector<256x128xf32>
    %reduce_min3A_94 = arith.constant dense<0x7F800000> : vector<256xf32>
    %reduce_min3A_95 = vector.multi_reduction <minimumf>, %select_n3A_93, %reduce_min3A_94 [1] : vector<256x128xf32> to vector<256xf32>
    %broadcast_in_dim3A_96 = vector.shape_cast %reduce_min3A_95 : vector<256xf32> to vector<256x1xf32>
    %eq3A_97 = vector.broadcast %broadcast_in_dim3A_96 : vector<256x1xf32> to vector<256x128xf32>
    %eq3A_98 = arith.cmpf oeq, %select_n3A_93, %eq3A_97 : vector<256x128xf32>
    %jit3A_99 = arith.constant 128 : i32
    %broadcast_in_dim3A_100 = vector.broadcast %jit3A_99 : i32 to vector<256x128xi32>
    %select_n3A_101 = arith.select %eq3A_98, %iota3A, %broadcast_in_dim3A_100 : vector<256x128xi1>, vector<256x128xi32>
    %reduce_min3A_102 = arith.constant dense<2147483647> : vector<256xi32>
    %reduce_min3A_103 = vector.multi_reduction <minsi>, %select_n3A_101, %reduce_min3A_102 [1] : vector<256x128xi32> to vector<256xi32>
    %broadcast_in_dim3A_104 = vector.shape_cast %reduce_min3A_103 : vector<256xi32> to vector<256x1xi32>
    %eq3A_105 = vector.broadcast %broadcast_in_dim3A_104 : vector<256x1xi32> to vector<256x128xi32>
    %eq3A_106 = arith.cmpi eq, %iota3A, %eq3A_105 : vector<256x128xi32>
    %jit3A_107 = arith.constant 0x7F800000 : f32
    %broadcast_in_dim3A_108 = vector.broadcast %jit3A_107 : f32 to vector<256x128xf32>
    %select_n3A_109 = arith.select %eq3A_106, %broadcast_in_dim3A_108, %select_n3A_93 : vector<256x128xi1>, vector<256x128xf32>
    %reduce_min3A_110 = arith.constant dense<0x7F800000> : vector<256xf32>
    %reduce_min3A_111 = vector.multi_reduction <minimumf>, %select_n3A_109, %reduce_min3A_110 [1] : vector<256x128xf32> to vector<256xf32>
    %broadcast_in_dim3A_112 = vector.shape_cast %reduce_min3A_111 : vector<256xf32> to vector<256x1xf32>
    %eq3A_113 = vector.broadcast %broadcast_in_dim3A_112 : vector<256x1xf32> to vector<256x128xf32>
    %eq3A_114 = arith.cmpf oeq, %select_n3A_109, %eq3A_113 : vector<256x128xf32>
    %jit3A_115 = arith.constant 128 : i32
    %broadcast_in_dim3A_116 = vector.broadcast %jit3A_115 : i32 to vector<256x128xi32>
    %select_n3A_117 = arith.select %eq3A_114, %iota3A, %broadcast_in_dim3A_116 : vector<256x128xi1>, vector<256x128xi32>
    %reduce_min3A_118 = arith.constant dense<2147483647> : vector<256xi32>
    %reduce_min3A_119 = vector.multi_reduction <minsi>, %select_n3A_117, %reduce_min3A_118 [1] : vector<256x128xi32> to vector<256xi32>
    %broadcast_in_dim3A_120 = vector.shape_cast %reduce_min3A_119 : vector<256xi32> to vector<256x1xi32>
    %eq3A_121 = vector.broadcast %broadcast_in_dim3A_120 : vector<256x1xi32> to vector<256x128xi32>
    %eq3A_122 = arith.cmpi eq, %iota3A, %eq3A_121 : vector<256x128xi32>
    %jit3A_123 = arith.constant 0x7F800000 : f32
    %broadcast_in_dim3A_124 = vector.broadcast %jit3A_123 : f32 to vector<256x128xf32>
    %select_n3A_125 = arith.select %eq3A_122, %broadcast_in_dim3A_124, %select_n3A_109 : vector<256x128xi1>, vector<256x128xf32>
    %reduce_min3A_126 = arith.constant dense<0x7F800000> : vector<256xf32>
    %reduce_min3A_127 = vector.multi_reduction <minimumf>, %select_n3A_125, %reduce_min3A_126 [1] : vector<256x128xf32> to vector<256xf32>
    %broadcast_in_dim3A_128 = vector.shape_cast %reduce_min3A_127 : vector<256xf32> to vector<256x1xf32>
    %eq3A_129 = vector.broadcast %broadcast_in_dim3A_128 : vector<256x1xf32> to vector<256x128xf32>
    %eq3A_130 = arith.cmpf oeq, %select_n3A_125, %eq3A_129 : vector<256x128xf32>
    %jit3A_131 = arith.constant 128 : i32
    %broadcast_in_dim3A_132 = vector.broadcast %jit3A_131 : i32 to vector<256x128xi32>
    %select_n3A_133 = arith.select %eq3A_130, %iota3A, %broadcast_in_dim3A_132 : vector<256x128xi1>, vector<256x128xi32>
    %reduce_min3A_134 = arith.constant dense<2147483647> : vector<256xi32>
    %reduce_min3A_135 = vector.multi_reduction <minsi>, %select_n3A_133, %reduce_min3A_134 [1] : vector<256x128xi32> to vector<256xi32>
    %broadcast_in_dim3A_136 = vector.shape_cast %reduce_min3A_135 : vector<256xi32> to vector<256x1xi32>
    %eq3A_137 = vector.broadcast %broadcast_in_dim3A_136 : vector<256x1xi32> to vector<256x128xi32>
    %eq3A_138 = arith.cmpi eq, %iota3A, %eq3A_137 : vector<256x128xi32>
    %jit3A_139 = arith.constant 0x7F800000 : f32
    %broadcast_in_dim3A_140 = vector.broadcast %jit3A_139 : f32 to vector<256x128xf32>
    %select_n3A_141 = arith.select %eq3A_138, %broadcast_in_dim3A_140, %select_n3A_125 : vector<256x128xi1>, vector<256x128xf32>
    %reduce_min3A_142 = arith.constant dense<0x7F800000> : vector<256xf32>
    %reduce_min3A_143 = vector.multi_reduction <minimumf>, %select_n3A_141, %reduce_min3A_142 [1] : vector<256x128xf32> to vector<256xf32>
    %broadcast_in_dim3A_144 = vector.shape_cast %reduce_min3A_143 : vector<256xf32> to vector<256x1xf32>
    %eq3A_145 = vector.broadcast %broadcast_in_dim3A_144 : vector<256x1xf32> to vector<256x128xf32>
    %eq3A_146 = arith.cmpf oeq, %select_n3A_141, %eq3A_145 : vector<256x128xf32>
    %jit3A_147 = arith.constant 128 : i32
    %broadcast_in_dim3A_148 = vector.broadcast %jit3A_147 : i32 to vector<256x128xi32>
    %select_n3A_149 = arith.select %eq3A_146, %iota3A, %broadcast_in_dim3A_148 : vector<256x128xi1>, vector<256x128xi32>
    %reduce_min3A_150 = arith.constant dense<2147483647> : vector<256xi32>
    %reduce_min3A_151 = vector.multi_reduction <minsi>, %select_n3A_149, %reduce_min3A_150 [1] : vector<256x128xi32> to vector<256xi32>
    %broadcast_in_dim3A_152 = vector.shape_cast %reduce_min3A_151 : vector<256xi32> to vector<256x1xi32>
    %concatenate3A = tpu.concatenate %broadcast_in_dim3A_40, %broadcast_in_dim3A_56, %broadcast_in_dim3A_72, %broadcast_in_dim3A_88, %broadcast_in_dim3A_104, %broadcast_in_dim3A_120, %broadcast_in_dim3A_136, %broadcast_in_dim3A_152 in 1 : vector<256x1xi32>, vector<256x1xi32>, vector<256x1xi32>, vector<256x1xi32>, vector<256x1xi32>, vector<256x1xi32>, vector<256x1xi32>, vector<256x1xi32> -> vector<256x8xi32>
    %broadcast_in_dim3A_153 = vector.shape_cast %concatenate3A : vector<256x8xi32> to vector<256x1x8xi32>
    %broadcast_in_dim3A_154 = vector.shape_cast %broadcast_in_dim3A_153 : vector<256x1x8xi32> to vector<256x1x8xi32>
    %broadcast_in_dim3A_155 = vector.broadcast %broadcast_in_dim3A_154 : vector<256x1x8xi32> to vector<256x128x8xi32>
    %lt3A = arith.constant 0 : i32
    %lt3A_156 = vector.broadcast %lt3A : i32 to vector<256x128x8xi32>
    %lt3A_157 = arith.cmpi slt, %broadcast_in_dim3A_155, %lt3A_156 : vector<256x128x8xi32>
    %add3A_158 = arith.constant 128 : i32
    %add3A_159 = vector.broadcast %add3A_158 : i32 to vector<256x128x8xi32>
    %add3A_160 = arith.addi %broadcast_in_dim3A_155, %add3A_159 : vector<256x128x8xi32>
    %select_n3A_161 = arith.select %lt3A_157, %add3A_160, %broadcast_in_dim3A_155 : vector<256x128x8xi1>, vector<256x128x8xi32>
    %reshape3A_162 = vector.shape_cast %select_n3A_161 : vector<256x128x8xi32> to vector<256x128x8x1xi32>
    %gather3A = vector.shape_cast %reshape3A_162 : vector<256x128x8x1xi32> to vector<256x128x8xi32>
    %gather3A_163 = tpu.dynamic_gather %reshape3A[%gather3A] in [2] : vector<256x128x128xf32>, vector<256x128x8xi32> -> vector<256x128x8xf32>
    %reshape3A_164 = vector.shape_cast %gather3A_163 : vector<256x128x8xf32> to vector<256x1024xf32>
    %jit3A_165 = arith.constant 0 : i32
    %pad3A = vector.broadcast %jit3A_165 : i32 to vector<256x120xi32>
    %pad3A_166 = tpu.concatenate %concatenate3A, %pad3A in 1 : vector<256x8xi32>, vector<256x120xi32> -> vector<256x128xi32>
    %iota3A_167 = tpu.iota {dimensions = array<i32: 1>} : vector<256x1024xi32>
    %and3A = arith.constant 7 : i32
    %and3A_168 = vector.broadcast %and3A : i32 to vector<256x1024xi32>
    %and3A_169 = arith.andi %iota3A_167, %and3A_168 : vector<256x1024xi32>
    %lt3A_170 = arith.constant 0 : i32
    %lt3A_171 = vector.broadcast %lt3A_170 : i32 to vector<256x1024xi32>
    %lt3A_172 = arith.cmpi slt, %and3A_169, %lt3A_171 : vector<256x1024xi32>
    %add3A_173 = arith.constant 128 : i32
    %add3A_174 = vector.broadcast %add3A_173 : i32 to vector<256x1024xi32>
    %add3A_175 = arith.addi %and3A_169, %add3A_174 : vector<256x1024xi32>
    %select_n3A_176 = arith.select %lt3A_172, %add3A_175, %and3A_169 : vector<256x1024xi1>, vector<256x1024xi32>
    %reshape3A_177 = vector.shape_cast %select_n3A_176 : vector<256x1024xi32> to vector<256x1024x1xi32>
    %gather3A_178 = vector.shape_cast %reshape3A_177 : vector<256x1024x1xi32> to vector<256x1024xi32>
    %gather3A_179 = tpu.dynamic_gather %pad3A_166[%gather3A_178] in [1] : vector<256x128xi32>, vector<256x1024xi32> -> vector<256x1024xi32>
    %shift_right_arithmetic3A = arith.constant 3 : i32
    %shift_right_arithmetic3A_180 = vector.broadcast %shift_right_arithmetic3A : i32 to vector<256x1024xi32>
    %shift_right_arithmetic3A_181 = arith.shrsi %iota3A_167, %shift_right_arithmetic3A_180 : vector<256x1024xi32>
    %mul3A_182 = arith.constant 128 : i32
    %mul3A_183 = vector.broadcast %mul3A_182 : i32 to vector<256x1024xi32>
    %mul3A_184 = arith.muli %shift_right_arithmetic3A_181, %mul3A_183 : vector<256x1024xi32>
    %add3A_185 = arith.addi %mul3A_184, %gather3A_179 : vector<256x1024xi32>
    %reduce_min3A_186 = arith.constant dense<0x7F800000> : vector<256xf32>
    %reduce_min3A_187 = vector.multi_reduction <minimumf>, %reshape3A_164, %reduce_min3A_186 [1] : vector<256x1024xf32> to vector<256xf32>
    %broadcast_in_dim3A_188 = vector.shape_cast %reduce_min3A_187 : vector<256xf32> to vector<256x1xf32>
    %eq3A_189 = vector.broadcast %broadcast_in_dim3A_188 : vector<256x1xf32> to vector<256x1024xf32>
    %eq3A_190 = arith.cmpf oeq, %reshape3A_164, %eq3A_189 : vector<256x1024xf32>
    %jit3A_191 = arith.constant 16384 : i32
    %broadcast_in_dim3A_192 = vector.broadcast %jit3A_191 : i32 to vector<256x1024xi32>
    %select_n3A_193 = arith.select %eq3A_190, %add3A_185, %broadcast_in_dim3A_192 : vector<256x1024xi1>, vector<256x1024xi32>
    %reduce_min3A_194 = arith.constant dense<2147483647> : vector<256xi32>
    %reduce_min3A_195 = vector.multi_reduction <minsi>, %select_n3A_193, %reduce_min3A_194 [1] : vector<256x1024xi32> to vector<256xi32>
    %broadcast_in_dim3A_196 = vector.shape_cast %reduce_min3A_195 : vector<256xi32> to vector<256x1xi32>
    %eq3A_197 = vector.broadcast %broadcast_in_dim3A_196 : vector<256x1xi32> to vector<256x1024xi32>
    %eq3A_198 = arith.cmpi eq, %add3A_185, %eq3A_197 : vector<256x1024xi32>
    %jit3A_199 = arith.constant 0x7F800000 : f32
    %broadcast_in_dim3A_200 = vector.broadcast %jit3A_199 : f32 to vector<256x1024xf32>
    %select_n3A_201 = arith.select %eq3A_198, %broadcast_in_dim3A_200, %reshape3A_164 : vector<256x1024xi1>, vector<256x1024xf32>
    %reduce_min3A_202 = arith.constant dense<0x7F800000> : vector<256xf32>
    %reduce_min3A_203 = vector.multi_reduction <minimumf>, %select_n3A_201, %reduce_min3A_202 [1] : vector<256x1024xf32> to vector<256xf32>
    %broadcast_in_dim3A_204 = vector.shape_cast %reduce_min3A_203 : vector<256xf32> to vector<256x1xf32>
    %eq3A_205 = vector.broadcast %broadcast_in_dim3A_204 : vector<256x1xf32> to vector<256x1024xf32>
    %eq3A_206 = arith.cmpf oeq, %select_n3A_201, %eq3A_205 : vector<256x1024xf32>
    %jit3A_207 = arith.constant 16384 : i32
    %broadcast_in_dim3A_208 = vector.broadcast %jit3A_207 : i32 to vector<256x1024xi32>
    %select_n3A_209 = arith.select %eq3A_206, %add3A_185, %broadcast_in_dim3A_208 : vector<256x1024xi1>, vector<256x1024xi32>
    %reduce_min3A_210 = arith.constant dense<2147483647> : vector<256xi32>
    %reduce_min3A_211 = vector.multi_reduction <minsi>, %select_n3A_209, %reduce_min3A_210 [1] : vector<256x1024xi32> to vector<256xi32>
    %broadcast_in_dim3A_212 = vector.shape_cast %reduce_min3A_211 : vector<256xi32> to vector<256x1xi32>
    %eq3A_213 = vector.broadcast %broadcast_in_dim3A_212 : vector<256x1xi32> to vector<256x1024xi32>
    %eq3A_214 = arith.cmpi eq, %add3A_185, %eq3A_213 : vector<256x1024xi32>
    %jit3A_215 = arith.constant 0x7F800000 : f32
    %broadcast_in_dim3A_216 = vector.broadcast %jit3A_215 : f32 to vector<256x1024xf32>
    %select_n3A_217 = arith.select %eq3A_214, %broadcast_in_dim3A_216, %select_n3A_201 : vector<256x1024xi1>, vector<256x1024xf32>
    %reduce_min3A_218 = arith.constant dense<0x7F800000> : vector<256xf32>
    %reduce_min3A_219 = vector.multi_reduction <minimumf>, %select_n3A_217, %reduce_min3A_218 [1] : vector<256x1024xf32> to vector<256xf32>
    %broadcast_in_dim3A_220 = vector.shape_cast %reduce_min3A_219 : vector<256xf32> to vector<256x1xf32>
    %eq3A_221 = vector.broadcast %broadcast_in_dim3A_220 : vector<256x1xf32> to vector<256x1024xf32>
    %eq3A_222 = arith.cmpf oeq, %select_n3A_217, %eq3A_221 : vector<256x1024xf32>
    %jit3A_223 = arith.constant 16384 : i32
    %broadcast_in_dim3A_224 = vector.broadcast %jit3A_223 : i32 to vector<256x1024xi32>
    %select_n3A_225 = arith.select %eq3A_222, %add3A_185, %broadcast_in_dim3A_224 : vector<256x1024xi1>, vector<256x1024xi32>
    %reduce_min3A_226 = arith.constant dense<2147483647> : vector<256xi32>
    %reduce_min3A_227 = vector.multi_reduction <minsi>, %select_n3A_225, %reduce_min3A_226 [1] : vector<256x1024xi32> to vector<256xi32>
    %broadcast_in_dim3A_228 = vector.shape_cast %reduce_min3A_227 : vector<256xi32> to vector<256x1xi32>
    %eq3A_229 = vector.broadcast %broadcast_in_dim3A_228 : vector<256x1xi32> to vector<256x1024xi32>
    %eq3A_230 = arith.cmpi eq, %add3A_185, %eq3A_229 : vector<256x1024xi32>
    %jit3A_231 = arith.constant 0x7F800000 : f32
    %broadcast_in_dim3A_232 = vector.broadcast %jit3A_231 : f32 to vector<256x1024xf32>
    %select_n3A_233 = arith.select %eq3A_230, %broadcast_in_dim3A_232, %select_n3A_217 : vector<256x1024xi1>, vector<256x1024xf32>
    %reduce_min3A_234 = arith.constant dense<0x7F800000> : vector<256xf32>
    %reduce_min3A_235 = vector.multi_reduction <minimumf>, %select_n3A_233, %reduce_min3A_234 [1] : vector<256x1024xf32> to vector<256xf32>
    %broadcast_in_dim3A_236 = vector.shape_cast %reduce_min3A_235 : vector<256xf32> to vector<256x1xf32>
    %eq3A_237 = vector.broadcast %broadcast_in_dim3A_236 : vector<256x1xf32> to vector<256x1024xf32>
    %eq3A_238 = arith.cmpf oeq, %select_n3A_233, %eq3A_237 : vector<256x1024xf32>
    %jit3A_239 = arith.constant 16384 : i32
    %broadcast_in_dim3A_240 = vector.broadcast %jit3A_239 : i32 to vector<256x1024xi32>
    %select_n3A_241 = arith.select %eq3A_238, %add3A_185, %broadcast_in_dim3A_240 : vector<256x1024xi1>, vector<256x1024xi32>
    %reduce_min3A_242 = arith.constant dense<2147483647> : vector<256xi32>
    %reduce_min3A_243 = vector.multi_reduction <minsi>, %select_n3A_241, %reduce_min3A_242 [1] : vector<256x1024xi32> to vector<256xi32>
    %broadcast_in_dim3A_244 = vector.shape_cast %reduce_min3A_243 : vector<256xi32> to vector<256x1xi32>
    %eq3A_245 = vector.broadcast %broadcast_in_dim3A_244 : vector<256x1xi32> to vector<256x1024xi32>
    %eq3A_246 = arith.cmpi eq, %add3A_185, %eq3A_245 : vector<256x1024xi32>
    %jit3A_247 = arith.constant 0x7F800000 : f32
    %broadcast_in_dim3A_248 = vector.broadcast %jit3A_247 : f32 to vector<256x1024xf32>
    %select_n3A_249 = arith.select %eq3A_246, %broadcast_in_dim3A_248, %select_n3A_233 : vector<256x1024xi1>, vector<256x1024xf32>
    %reduce_min3A_250 = arith.constant dense<0x7F800000> : vector<256xf32>
    %reduce_min3A_251 = vector.multi_reduction <minimumf>, %select_n3A_249, %reduce_min3A_250 [1] : vector<256x1024xf32> to vector<256xf32>
    %broadcast_in_dim3A_252 = vector.shape_cast %reduce_min3A_251 : vector<256xf32> to vector<256x1xf32>
    %eq3A_253 = vector.broadcast %broadcast_in_dim3A_252 : vector<256x1xf32> to vector<256x1024xf32>
    %eq3A_254 = arith.cmpf oeq, %select_n3A_249, %eq3A_253 : vector<256x1024xf32>
    %jit3A_255 = arith.constant 16384 : i32
    %broadcast_in_dim3A_256 = vector.broadcast %jit3A_255 : i32 to vector<256x1024xi32>
    %select_n3A_257 = arith.select %eq3A_254, %add3A_185, %broadcast_in_dim3A_256 : vector<256x1024xi1>, vector<256x1024xi32>
    %reduce_min3A_258 = arith.constant dense<2147483647> : vector<256xi32>
    %reduce_min3A_259 = vector.multi_reduction <minsi>, %select_n3A_257, %reduce_min3A_258 [1] : vector<256x1024xi32> to vector<256xi32>
    %broadcast_in_dim3A_260 = vector.shape_cast %reduce_min3A_259 : vector<256xi32> to vector<256x1xi32>
    %eq3A_261 = vector.broadcast %broadcast_in_dim3A_260 : vector<256x1xi32> to vector<256x1024xi32>
    %eq3A_262 = arith.cmpi eq, %add3A_185, %eq3A_261 : vector<256x1024xi32>
    %jit3A_263 = arith.constant 0x7F800000 : f32
    %broadcast_in_dim3A_264 = vector.broadcast %jit3A_263 : f32 to vector<256x1024xf32>
    %select_n3A_265 = arith.select %eq3A_262, %broadcast_in_dim3A_264, %select_n3A_249 : vector<256x1024xi1>, vector<256x1024xf32>
    %reduce_min3A_266 = arith.constant dense<0x7F800000> : vector<256xf32>
    %reduce_min3A_267 = vector.multi_reduction <minimumf>, %select_n3A_265, %reduce_min3A_266 [1] : vector<256x1024xf32> to vector<256xf32>
    %broadcast_in_dim3A_268 = vector.shape_cast %reduce_min3A_267 : vector<256xf32> to vector<256x1xf32>
    %eq3A_269 = vector.broadcast %broadcast_in_dim3A_268 : vector<256x1xf32> to vector<256x1024xf32>
    %eq3A_270 = arith.cmpf oeq, %select_n3A_265, %eq3A_269 : vector<256x1024xf32>
    %jit3A_271 = arith.constant 16384 : i32
    %broadcast_in_dim3A_272 = vector.broadcast %jit3A_271 : i32 to vector<256x1024xi32>
    %select_n3A_273 = arith.select %eq3A_270, %add3A_185, %broadcast_in_dim3A_272 : vector<256x1024xi1>, vector<256x1024xi32>
    %reduce_min3A_274 = arith.constant dense<2147483647> : vector<256xi32>
    %reduce_min3A_275 = vector.multi_reduction <minsi>, %select_n3A_273, %reduce_min3A_274 [1] : vector<256x1024xi32> to vector<256xi32>
    %broadcast_in_dim3A_276 = vector.shape_cast %reduce_min3A_275 : vector<256xi32> to vector<256x1xi32>
    %eq3A_277 = vector.broadcast %broadcast_in_dim3A_276 : vector<256x1xi32> to vector<256x1024xi32>
    %eq3A_278 = arith.cmpi eq, %add3A_185, %eq3A_277 : vector<256x1024xi32>
    %jit3A_279 = arith.constant 0x7F800000 : f32
    %broadcast_in_dim3A_280 = vector.broadcast %jit3A_279 : f32 to vector<256x1024xf32>
    %select_n3A_281 = arith.select %eq3A_278, %broadcast_in_dim3A_280, %select_n3A_265 : vector<256x1024xi1>, vector<256x1024xf32>
    %reduce_min3A_282 = arith.constant dense<0x7F800000> : vector<256xf32>
    %reduce_min3A_283 = vector.multi_reduction <minimumf>, %select_n3A_281, %reduce_min3A_282 [1] : vector<256x1024xf32> to vector<256xf32>
    %broadcast_in_dim3A_284 = vector.shape_cast %reduce_min3A_283 : vector<256xf32> to vector<256x1xf32>
    %eq3A_285 = vector.broadcast %broadcast_in_dim3A_284 : vector<256x1xf32> to vector<256x1024xf32>
    %eq3A_286 = arith.cmpf oeq, %select_n3A_281, %eq3A_285 : vector<256x1024xf32>
    %jit3A_287 = arith.constant 16384 : i32
    %broadcast_in_dim3A_288 = vector.broadcast %jit3A_287 : i32 to vector<256x1024xi32>
    %select_n3A_289 = arith.select %eq3A_286, %add3A_185, %broadcast_in_dim3A_288 : vector<256x1024xi1>, vector<256x1024xi32>
    %reduce_min3A_290 = arith.constant dense<2147483647> : vector<256xi32>
    %reduce_min3A_291 = vector.multi_reduction <minsi>, %select_n3A_289, %reduce_min3A_290 [1] : vector<256x1024xi32> to vector<256xi32>
    %broadcast_in_dim3A_292 = vector.shape_cast %reduce_min3A_291 : vector<256xi32> to vector<256x1xi32>
    %eq3A_293 = vector.broadcast %broadcast_in_dim3A_292 : vector<256x1xi32> to vector<256x1024xi32>
    %eq3A_294 = arith.cmpi eq, %add3A_185, %eq3A_293 : vector<256x1024xi32>
    %jit3A_295 = arith.constant 0x7F800000 : f32
    %broadcast_in_dim3A_296 = vector.broadcast %jit3A_295 : f32 to vector<256x1024xf32>
    %select_n3A_297 = arith.select %eq3A_294, %broadcast_in_dim3A_296, %select_n3A_281 : vector<256x1024xi1>, vector<256x1024xf32>
    %reduce_min3A_298 = arith.constant dense<0x7F800000> : vector<256xf32>
    %reduce_min3A_299 = vector.multi_reduction <minimumf>, %select_n3A_297, %reduce_min3A_298 [1] : vector<256x1024xf32> to vector<256xf32>
    %broadcast_in_dim3A_300 = vector.shape_cast %reduce_min3A_299 : vector<256xf32> to vector<256x1xf32>
    %eq3A_301 = vector.broadcast %broadcast_in_dim3A_300 : vector<256x1xf32> to vector<256x1024xf32>
    %eq3A_302 = arith.cmpf oeq, %select_n3A_297, %eq3A_301 : vector<256x1024xf32>
    %jit3A_303 = arith.constant 16384 : i32
    %broadcast_in_dim3A_304 = vector.broadcast %jit3A_303 : i32 to vector<256x1024xi32>
    %select_n3A_305 = arith.select %eq3A_302, %add3A_185, %broadcast_in_dim3A_304 : vector<256x1024xi1>, vector<256x1024xi32>
    %reduce_min3A_306 = arith.constant dense<2147483647> : vector<256xi32>
    %reduce_min3A_307 = vector.multi_reduction <minsi>, %select_n3A_305, %reduce_min3A_306 [1] : vector<256x1024xi32> to vector<256xi32>
    %broadcast_in_dim3A_308 = vector.shape_cast %reduce_min3A_307 : vector<256xi32> to vector<256x1xi32>
    %concatenate3A_309 = tpu.concatenate %broadcast_in_dim3A_196, %broadcast_in_dim3A_212, %broadcast_in_dim3A_228, %broadcast_in_dim3A_244, %broadcast_in_dim3A_260, %broadcast_in_dim3A_276, %broadcast_in_dim3A_292, %broadcast_in_dim3A_308 in 1 : vector<256x1xi32>, vector<256x1xi32>, vector<256x1xi32>, vector<256x1xi32>, vector<256x1xi32>, vector<256x1xi32>, vector<256x1xi32>, vector<256x1xi32> -> vector<256x8xi32>
    %swap3A = arith.constant 0 : index
    %swap3A_310 = arith.constant 0 : index
    %swap3A_311 = vector.load %arg3[%swap3A, %swap3A_310] : memref<256x8xi32, #tpu.memory_space<vmem>>, vector<256x8xi32>
    tpu.vector_store %arg3[%swap3A, %swap3A_310], %concatenate3A_309 {strides = array<i32>} : memref<256x8xi32, #tpu.memory_space<vmem>>, vector<256x8xi32>,
    return
  }
  func.func @transform_0(%arg0: i32) -> (i32, i32) {
    %c0_i32 = arith.constant 0 : i32
    %c0_i32_0 = arith.constant 0 : i32
    return %arg0, %c0_i32 : i32, i32
  }
  func.func @transform_1(%arg0: i32) -> (i32, i32) {
    %c0_i32 = arith.constant 0 : i32
    %c0_i32_0 = arith.constant 0 : i32
    %c0_i32_1 = arith.constant 0 : i32
    return %c0_i32, %c0_i32_0 : i32, i32
  }
  func.func @transform_2(%arg0: i32) -> (i32, i32) {
    %c0_i32 = arith.constant 0 : i32
    %c0_i32_0 = arith.constant 0 : i32
    return %arg0, %c0_i32 : i32, i32
  }
}

module attributes {stable_mosaic.version = 14 : i64} {
  func.func @_vraw_body(%arg0: i32, %arg1: memref<512x256xf32, #tpu.memory_space<vmem>>, %arg2: memref<256x256xf32, #tpu.memory_space<vmem>>, %arg3: memref<1x256xf32, #tpu.memory_space<vmem>>, %arg4: memref<512x256xf32, #tpu.memory_space<vmem>>) attributes {dimension_semantics = [#tpu.dimension_semantics<arbitrary>], iteration_bounds = array<i64: 32>, scalar_prefetch = 0 : i64, scratch_operands = 0 : i64, tpu.core_type = #tpu.core_type<tc>, window_params = [{transform_indices = @transform_0, window_bounds = array<i64: 512, 256>}, {pipeline_mode = #tpu.pipeline_mode<synchronous>, transform_indices = @transform_1, window_bounds = array<i64: 256, 256>}, {pipeline_mode = #tpu.pipeline_mode<synchronous>, transform_indices = @transform_2, window_bounds = array<i64: 1, 256>}, {transform_indices = @transform_3, window_bounds = array<i64: 512, 256>}]} {
    %get3A = arith.constant 0 : index
    %get3A_0 = arith.constant 0 : index
    %get3A_1 = vector.load %arg1[%get3A, %get3A_0] : memref<512x256xf32, #tpu.memory_space<vmem>>, vector<512x256xf32>
    %get3A_2 = arith.constant 0 : index
    %get3A_3 = arith.constant 0 : index
    %get3A_4 = vector.load %arg2[%get3A_2, %get3A_3] : memref<256x256xf32, #tpu.memory_space<vmem>>, vector<256x256xf32>
    %dot_general3A = arith.constant dense<0.000000e+00> : vector<512x256xf32>
    %dot_general3A_5 = tpu.matmul %get3A_1, %get3A_4, %dot_general3A {dimension_numbers = #tpu.dot_dimension_numbers<[1], [0], [0], [1], [0, 0, 1, 1], [], []>, transpose_lhs_hint = false} : vector<512x256xf32>, vector<256x256xf32>, vector<512x256xf32> -> vector<512x256xf32>
    %get3A_6 = arith.constant 0 : index
    %get3A_7 = arith.constant 0 : index
    %get3A_8 = vector.load %arg3[%get3A_6, %get3A_7] : memref<1x256xf32, #tpu.memory_space<vmem>>, vector<1x256xf32>
    %add3A = vector.broadcast %get3A_8 : vector<1x256xf32> to vector<512x256xf32>
    %add3A_9 = arith.addf %dot_general3A_5, %add3A : vector<512x256xf32>
    %swap3A = arith.constant 0 : index
    %swap3A_10 = arith.constant 0 : index
    %swap3A_11 = vector.load %arg4[%swap3A, %swap3A_10] : memref<512x256xf32, #tpu.memory_space<vmem>>, vector<512x256xf32>
    tpu.vector_store %arg4[%swap3A, %swap3A_10], %add3A_9 {strides = array<i32>} : memref<512x256xf32, #tpu.memory_space<vmem>>, vector<512x256xf32>,
    return
  }
  func.func @transform_0(%arg0: i32) -> (i32, i32) {
    %c0_i32 = arith.constant 0 : i32
    %c0_i32_0 = arith.constant 0 : i32
    return %arg0, %c0_i32 : i32, i32
  }
  func.func @transform_1(%arg0: i32) -> (i32, i32) {
    %c0_i32 = arith.constant 0 : i32
    %c0_i32_0 = arith.constant 0 : i32
    %c0_i32_1 = arith.constant 0 : i32
    return %c0_i32, %c0_i32_0 : i32, i32
  }
  func.func @transform_2(%arg0: i32) -> (i32, i32) {
    %c0_i32 = arith.constant 0 : i32
    %c0_i32_0 = arith.constant 0 : i32
    %c0_i32_1 = arith.constant 0 : i32
    return %c0_i32, %c0_i32_0 : i32, i32
  }
  func.func @transform_3(%arg0: i32) -> (i32, i32) {
    %c0_i32 = arith.constant 0 : i32
    %c0_i32_0 = arith.constant 0 : i32
    return %arg0, %c0_i32 : i32, i32
  }
}

module attributes {stable_mosaic.version = 14 : i64} {
  func.func @_attn_body(%arg0: i32, %arg1: memref<128x256xf32, #tpu.memory_space<vmem>>, %arg2: memref<128x2048xf32, #tpu.memory_space<vmem>>, %arg3: memref<128x2048xf32, #tpu.memory_space<vmem>>, %arg4: memref<256x256xf32, #tpu.memory_space<vmem>>, %arg5: memref<1x256xf32, #tpu.memory_space<vmem>>, %arg6: memref<256x256xf32, #tpu.memory_space<vmem>>, %arg7: memref<1x256xf32, #tpu.memory_space<vmem>>, %arg8: memref<128x256xf32, #tpu.memory_space<vmem>>) attributes {dimension_semantics = [#tpu.dimension_semantics<arbitrary>], iteration_bounds = array<i64: 64>, scalar_prefetch = 0 : i64, scratch_operands = 0 : i64, tpu.core_type = #tpu.core_type<tc>, window_params = [{transform_indices = @transform_0, window_bounds = array<i64: 128, 256>}, {transform_indices = @transform_1, window_bounds = array<i64: 128, 2048>}, {transform_indices = @transform_2, window_bounds = array<i64: 128, 2048>}, {pipeline_mode = #tpu.pipeline_mode<synchronous>, transform_indices = @transform_3, window_bounds = array<i64: 256, 256>}, {pipeline_mode = #tpu.pipeline_mode<synchronous>, transform_indices = @transform_4, window_bounds = array<i64: 1, 256>}, {pipeline_mode = #tpu.pipeline_mode<synchronous>, transform_indices = @transform_5, window_bounds = array<i64: 256, 256>}, {pipeline_mode = #tpu.pipeline_mode<synchronous>, transform_indices = @transform_6, window_bounds = array<i64: 1, 256>}, {transform_indices = @transform_7, window_bounds = array<i64: 128, 256>}]} {
    %get3A = arith.constant 0 : index
    %get3A_0 = arith.constant 0 : index
    %get3A_1 = vector.load %arg1[%get3A, %get3A_0] : memref<128x256xf32, #tpu.memory_space<vmem>>, vector<128x256xf32>
    %get3A_2 = arith.constant 0 : index
    %get3A_3 = arith.constant 0 : index
    %get3A_4 = vector.load %arg2[%get3A_2, %get3A_3] : memref<128x2048xf32, #tpu.memory_space<vmem>>, vector<128x2048xf32>
    %get3A_5 = arith.constant 0 : index
    %get3A_6 = arith.constant 0 : index
    %get3A_7 = vector.load %arg3[%get3A_5, %get3A_6] : memref<128x2048xf32, #tpu.memory_space<vmem>>, vector<128x2048xf32>
    %slice3A = vector.extract_strided_slice %get3A_4 {offsets = [0, 0], sizes = [128, 256], strides = [1, 1]} : vector<128x2048xf32> to vector<128x256xf32>
    %mul3A = arith.mulf %get3A_1, %slice3A : vector<128x256xf32>
    %reduce_sum3A = arith.constant dense<0.000000e+00> : vector<128xf32>
    %reduce_sum3A_8 = vector.multi_reduction <add>, %mul3A, %reduce_sum3A [1] : vector<128x256xf32> to vector<128xf32>
    %broadcast_in_dim3A = vector.shape_cast %reduce_sum3A_8 : vector<128xf32> to vector<128x1xf32>
    %mul3A_9 = arith.constant 6.250000e-02 : f32
    %mul3A_10 = vector.broadcast %mul3A_9 : f32 to vector<128x1xf32>
    %mul3A_11 = arith.mulf %broadcast_in_dim3A, %mul3A_10 : vector<128x1xf32>
    %slice3A_12 = vector.extract_strided_slice %get3A_4 {offsets = [0, 256], sizes = [128, 256], strides = [1, 1]} : vector<128x2048xf32> to vector<128x256xf32>
    %mul3A_13 = arith.mulf %get3A_1, %slice3A_12 : vector<128x256xf32>
    %reduce_sum3A_14 = arith.constant dense<0.000000e+00> : vector<128xf32>
    %reduce_sum3A_15 = vector.multi_reduction <add>, %mul3A_13, %reduce_sum3A_14 [1] : vector<128x256xf32> to vector<128xf32>
    %broadcast_in_dim3A_16 = vector.shape_cast %reduce_sum3A_15 : vector<128xf32> to vector<128x1xf32>
    %mul3A_17 = arith.constant 6.250000e-02 : f32
    %mul3A_18 = vector.broadcast %mul3A_17 : f32 to vector<128x1xf32>
    %mul3A_19 = arith.mulf %broadcast_in_dim3A_16, %mul3A_18 : vector<128x1xf32>
    %slice3A_20 = vector.extract_strided_slice %get3A_4 {offsets = [0, 512], sizes = [128, 256], strides = [1, 1]} : vector<128x2048xf32> to vector<128x256xf32>
    %mul3A_21 = arith.mulf %get3A_1, %slice3A_20 : vector<128x256xf32>
    %reduce_sum3A_22 = arith.constant dense<0.000000e+00> : vector<128xf32>
    %reduce_sum3A_23 = vector.multi_reduction <add>, %mul3A_21, %reduce_sum3A_22 [1] : vector<128x256xf32> to vector<128xf32>
    %broadcast_in_dim3A_24 = vector.shape_cast %reduce_sum3A_23 : vector<128xf32> to vector<128x1xf32>
    %mul3A_25 = arith.constant 6.250000e-02 : f32
    %mul3A_26 = vector.broadcast %mul3A_25 : f32 to vector<128x1xf32>
    %mul3A_27 = arith.mulf %broadcast_in_dim3A_24, %mul3A_26 : vector<128x1xf32>
    %slice3A_28 = vector.extract_strided_slice %get3A_4 {offsets = [0, 768], sizes = [128, 256], strides = [1, 1]} : vector<128x2048xf32> to vector<128x256xf32>
    %mul3A_29 = arith.mulf %get3A_1, %slice3A_28 : vector<128x256xf32>
    %reduce_sum3A_30 = arith.constant dense<0.000000e+00> : vector<128xf32>
    %reduce_sum3A_31 = vector.multi_reduction <add>, %mul3A_29, %reduce_sum3A_30 [1] : vector<128x256xf32> to vector<128xf32>
    %broadcast_in_dim3A_32 = vector.shape_cast %reduce_sum3A_31 : vector<128xf32> to vector<128x1xf32>
    %mul3A_33 = arith.constant 6.250000e-02 : f32
    %mul3A_34 = vector.broadcast %mul3A_33 : f32 to vector<128x1xf32>
    %mul3A_35 = arith.mulf %broadcast_in_dim3A_32, %mul3A_34 : vector<128x1xf32>
    %slice3A_36 = vector.extract_strided_slice %get3A_4 {offsets = [0, 1024], sizes = [128, 256], strides = [1, 1]} : vector<128x2048xf32> to vector<128x256xf32>
    %mul3A_37 = arith.mulf %get3A_1, %slice3A_36 : vector<128x256xf32>
    %reduce_sum3A_38 = arith.constant dense<0.000000e+00> : vector<128xf32>
    %reduce_sum3A_39 = vector.multi_reduction <add>, %mul3A_37, %reduce_sum3A_38 [1] : vector<128x256xf32> to vector<128xf32>
    %broadcast_in_dim3A_40 = vector.shape_cast %reduce_sum3A_39 : vector<128xf32> to vector<128x1xf32>
    %mul3A_41 = arith.constant 6.250000e-02 : f32
    %mul3A_42 = vector.broadcast %mul3A_41 : f32 to vector<128x1xf32>
    %mul3A_43 = arith.mulf %broadcast_in_dim3A_40, %mul3A_42 : vector<128x1xf32>
    %slice3A_44 = vector.extract_strided_slice %get3A_4 {offsets = [0, 1280], sizes = [128, 256], strides = [1, 1]} : vector<128x2048xf32> to vector<128x256xf32>
    %mul3A_45 = arith.mulf %get3A_1, %slice3A_44 : vector<128x256xf32>
    %reduce_sum3A_46 = arith.constant dense<0.000000e+00> : vector<128xf32>
    %reduce_sum3A_47 = vector.multi_reduction <add>, %mul3A_45, %reduce_sum3A_46 [1] : vector<128x256xf32> to vector<128xf32>
    %broadcast_in_dim3A_48 = vector.shape_cast %reduce_sum3A_47 : vector<128xf32> to vector<128x1xf32>
    %mul3A_49 = arith.constant 6.250000e-02 : f32
    %mul3A_50 = vector.broadcast %mul3A_49 : f32 to vector<128x1xf32>
    %mul3A_51 = arith.mulf %broadcast_in_dim3A_48, %mul3A_50 : vector<128x1xf32>
    %slice3A_52 = vector.extract_strided_slice %get3A_4 {offsets = [0, 1536], sizes = [128, 256], strides = [1, 1]} : vector<128x2048xf32> to vector<128x256xf32>
    %mul3A_53 = arith.mulf %get3A_1, %slice3A_52 : vector<128x256xf32>
    %reduce_sum3A_54 = arith.constant dense<0.000000e+00> : vector<128xf32>
    %reduce_sum3A_55 = vector.multi_reduction <add>, %mul3A_53, %reduce_sum3A_54 [1] : vector<128x256xf32> to vector<128xf32>
    %broadcast_in_dim3A_56 = vector.shape_cast %reduce_sum3A_55 : vector<128xf32> to vector<128x1xf32>
    %mul3A_57 = arith.constant 6.250000e-02 : f32
    %mul3A_58 = vector.broadcast %mul3A_57 : f32 to vector<128x1xf32>
    %mul3A_59 = arith.mulf %broadcast_in_dim3A_56, %mul3A_58 : vector<128x1xf32>
    %slice3A_60 = vector.extract_strided_slice %get3A_4 {offsets = [0, 1792], sizes = [128, 256], strides = [1, 1]} : vector<128x2048xf32> to vector<128x256xf32>
    %mul3A_61 = arith.mulf %get3A_1, %slice3A_60 : vector<128x256xf32>
    %reduce_sum3A_62 = arith.constant dense<0.000000e+00> : vector<128xf32>
    %reduce_sum3A_63 = vector.multi_reduction <add>, %mul3A_61, %reduce_sum3A_62 [1] : vector<128x256xf32> to vector<128xf32>
    %broadcast_in_dim3A_64 = vector.shape_cast %reduce_sum3A_63 : vector<128xf32> to vector<128x1xf32>
    %mul3A_65 = arith.constant 6.250000e-02 : f32
    %mul3A_66 = vector.broadcast %mul3A_65 : f32 to vector<128x1xf32>
    %mul3A_67 = arith.mulf %broadcast_in_dim3A_64, %mul3A_66 : vector<128x1xf32>
    %concatenate3A = tpu.concatenate %mul3A_11, %mul3A_19, %mul3A_27, %mul3A_35, %mul3A_43, %mul3A_51, %mul3A_59, %mul3A_67 in 1 : vector<128x1xf32>, vector<128x1xf32>, vector<128x1xf32>, vector<128x1xf32>, vector<128x1xf32>, vector<128x1xf32>, vector<128x1xf32>, vector<128x1xf32> -> vector<128x8xf32>
    %reduce_max3A = arith.constant dense<0xFF800000> : vector<128xf32>
    %reduce_max3A_68 = vector.multi_reduction <maximumf>, %concatenate3A, %reduce_max3A [1] : vector<128x8xf32> to vector<128xf32>
    %broadcast_in_dim3A_69 = vector.shape_cast %reduce_max3A_68 : vector<128xf32> to vector<128x1xf32>
    %sub3A = vector.broadcast %broadcast_in_dim3A_69 : vector<128x1xf32> to vector<128x8xf32>
    %sub3A_70 = arith.subf %concatenate3A, %sub3A : vector<128x8xf32>
    %exp3A = math.exp %sub3A_70 : vector<128x8xf32>
    %reduce_sum3A_71 = arith.constant dense<0.000000e+00> : vector<128xf32>
    %reduce_sum3A_72 = vector.multi_reduction <add>, %exp3A, %reduce_sum3A_71 [1] : vector<128x8xf32> to vector<128xf32>
    %broadcast_in_dim3A_73 = vector.shape_cast %reduce_sum3A_72 : vector<128xf32> to vector<128x1xf32>
    %div3A = vector.broadcast %broadcast_in_dim3A_73 : vector<128x1xf32> to vector<128x8xf32>
    %div3A_74 = arith.divf %exp3A, %div3A : vector<128x8xf32>
    %broadcast_in_dim3A_75 = arith.constant 0.000000e+00 : f32
    %broadcast_in_dim3A_76 = vector.broadcast %broadcast_in_dim3A_75 : f32 to vector<128x256xf32>
    %slice3A_77 = vector.extract_strided_slice %div3A_74 {offsets = [0, 0], sizes = [128, 1], strides = [1, 1]} : vector<128x8xf32> to vector<128x1xf32>
    %slice3A_78 = vector.extract_strided_slice %get3A_7 {offsets = [0, 0], sizes = [128, 256], strides = [1, 1]} : vector<128x2048xf32> to vector<128x256xf32>
    %mul3A_79 = vector.broadcast %slice3A_77 : vector<128x1xf32> to vector<128x256xf32>
    %mul3A_80 = arith.mulf %mul3A_79, %slice3A_78 : vector<128x256xf32>
    %add3A = arith.addf %broadcast_in_dim3A_76, %mul3A_80 : vector<128x256xf32>
    %slice3A_81 = vector.extract_strided_slice %div3A_74 {offsets = [0, 1], sizes = [128, 1], strides = [1, 1]} : vector<128x8xf32> to vector<128x1xf32>
    %slice3A_82 = vector.extract_strided_slice %get3A_7 {offsets = [0, 256], sizes = [128, 256], strides = [1, 1]} : vector<128x2048xf32> to vector<128x256xf32>
    %mul3A_83 = vector.broadcast %slice3A_81 : vector<128x1xf32> to vector<128x256xf32>
    %mul3A_84 = arith.mulf %mul3A_83, %slice3A_82 : vector<128x256xf32>
    %add3A_85 = arith.addf %add3A, %mul3A_84 : vector<128x256xf32>
    %slice3A_86 = vector.extract_strided_slice %div3A_74 {offsets = [0, 2], sizes = [128, 1], strides = [1, 1]} : vector<128x8xf32> to vector<128x1xf32>
    %slice3A_87 = vector.extract_strided_slice %get3A_7 {offsets = [0, 512], sizes = [128, 256], strides = [1, 1]} : vector<128x2048xf32> to vector<128x256xf32>
    %mul3A_88 = vector.broadcast %slice3A_86 : vector<128x1xf32> to vector<128x256xf32>
    %mul3A_89 = arith.mulf %mul3A_88, %slice3A_87 : vector<128x256xf32>
    %add3A_90 = arith.addf %add3A_85, %mul3A_89 : vector<128x256xf32>
    %slice3A_91 = vector.extract_strided_slice %div3A_74 {offsets = [0, 3], sizes = [128, 1], strides = [1, 1]} : vector<128x8xf32> to vector<128x1xf32>
    %slice3A_92 = vector.extract_strided_slice %get3A_7 {offsets = [0, 768], sizes = [128, 256], strides = [1, 1]} : vector<128x2048xf32> to vector<128x256xf32>
    %mul3A_93 = vector.broadcast %slice3A_91 : vector<128x1xf32> to vector<128x256xf32>
    %mul3A_94 = arith.mulf %mul3A_93, %slice3A_92 : vector<128x256xf32>
    %add3A_95 = arith.addf %add3A_90, %mul3A_94 : vector<128x256xf32>
    %slice3A_96 = vector.extract_strided_slice %div3A_74 {offsets = [0, 4], sizes = [128, 1], strides = [1, 1]} : vector<128x8xf32> to vector<128x1xf32>
    %slice3A_97 = vector.extract_strided_slice %get3A_7 {offsets = [0, 1024], sizes = [128, 256], strides = [1, 1]} : vector<128x2048xf32> to vector<128x256xf32>
    %mul3A_98 = vector.broadcast %slice3A_96 : vector<128x1xf32> to vector<128x256xf32>
    %mul3A_99 = arith.mulf %mul3A_98, %slice3A_97 : vector<128x256xf32>
    %add3A_100 = arith.addf %add3A_95, %mul3A_99 : vector<128x256xf32>
    %slice3A_101 = vector.extract_strided_slice %div3A_74 {offsets = [0, 5], sizes = [128, 1], strides = [1, 1]} : vector<128x8xf32> to vector<128x1xf32>
    %slice3A_102 = vector.extract_strided_slice %get3A_7 {offsets = [0, 1280], sizes = [128, 256], strides = [1, 1]} : vector<128x2048xf32> to vector<128x256xf32>
    %mul3A_103 = vector.broadcast %slice3A_101 : vector<128x1xf32> to vector<128x256xf32>
    %mul3A_104 = arith.mulf %mul3A_103, %slice3A_102 : vector<128x256xf32>
    %add3A_105 = arith.addf %add3A_100, %mul3A_104 : vector<128x256xf32>
    %slice3A_106 = vector.extract_strided_slice %div3A_74 {offsets = [0, 6], sizes = [128, 1], strides = [1, 1]} : vector<128x8xf32> to vector<128x1xf32>
    %slice3A_107 = vector.extract_strided_slice %get3A_7 {offsets = [0, 1536], sizes = [128, 256], strides = [1, 1]} : vector<128x2048xf32> to vector<128x256xf32>
    %mul3A_108 = vector.broadcast %slice3A_106 : vector<128x1xf32> to vector<128x256xf32>
    %mul3A_109 = arith.mulf %mul3A_108, %slice3A_107 : vector<128x256xf32>
    %add3A_110 = arith.addf %add3A_105, %mul3A_109 : vector<128x256xf32>
    %slice3A_111 = vector.extract_strided_slice %div3A_74 {offsets = [0, 7], sizes = [128, 1], strides = [1, 1]} : vector<128x8xf32> to vector<128x1xf32>
    %slice3A_112 = vector.extract_strided_slice %get3A_7 {offsets = [0, 1792], sizes = [128, 256], strides = [1, 1]} : vector<128x2048xf32> to vector<128x256xf32>
    %mul3A_113 = vector.broadcast %slice3A_111 : vector<128x1xf32> to vector<128x256xf32>
    %mul3A_114 = arith.mulf %mul3A_113, %slice3A_112 : vector<128x256xf32>
    %add3A_115 = arith.addf %add3A_110, %mul3A_114 : vector<128x256xf32>
    %get3A_116 = arith.constant 0 : index
    %get3A_117 = arith.constant 0 : index
    %get3A_118 = vector.load %arg4[%get3A_116, %get3A_117] : memref<256x256xf32, #tpu.memory_space<vmem>>, vector<256x256xf32>
    %dot_general3A = arith.constant dense<0.000000e+00> : vector<128x256xf32>
    %dot_general3A_119 = tpu.matmul %add3A_115, %get3A_118, %dot_general3A {dimension_numbers = #tpu.dot_dimension_numbers<[1], [0], [0], [1], [0, 0, 1, 1], [], []>, transpose_lhs_hint = false} : vector<128x256xf32>, vector<256x256xf32>, vector<128x256xf32> -> vector<128x256xf32>
    %get3A_120 = arith.constant 0 : index
    %get3A_121 = arith.constant 0 : index
    %get3A_122 = vector.load %arg5[%get3A_120, %get3A_121] : memref<1x256xf32, #tpu.memory_space<vmem>>, vector<1x256xf32>
    %add3A_123 = vector.broadcast %get3A_122 : vector<1x256xf32> to vector<128x256xf32>
    %add3A_124 = arith.addf %dot_general3A_119, %add3A_123 : vector<128x256xf32>
    %get3A_125 = arith.constant 0 : index
    %get3A_126 = arith.constant 0 : index
    %get3A_127 = vector.load %arg6[%get3A_125, %get3A_126] : memref<256x256xf32, #tpu.memory_space<vmem>>, vector<256x256xf32>
    %dot_general3A_128 = arith.constant dense<0.000000e+00> : vector<128x256xf32>
    %dot_general3A_129 = tpu.matmul %add3A_124, %get3A_127, %dot_general3A_128 {dimension_numbers = #tpu.dot_dimension_numbers<[1], [0], [0], [1], [0, 0, 1, 1], [], []>, transpose_lhs_hint = false} : vector<128x256xf32>, vector<256x256xf32>, vector<128x256xf32> -> vector<128x256xf32>
    %get3A_130 = arith.constant 0 : index
    %get3A_131 = arith.constant 0 : index
    %get3A_132 = vector.load %arg7[%get3A_130, %get3A_131] : memref<1x256xf32, #tpu.memory_space<vmem>>, vector<1x256xf32>
    %add3A_133 = vector.broadcast %get3A_132 : vector<1x256xf32> to vector<128x256xf32>
    %add3A_134 = arith.addf %dot_general3A_129, %add3A_133 : vector<128x256xf32>
    %swap3A = arith.constant 0 : index
    %swap3A_135 = arith.constant 0 : index
    %swap3A_136 = vector.load %arg8[%swap3A, %swap3A_135] : memref<128x256xf32, #tpu.memory_space<vmem>>, vector<128x256xf32>
    tpu.vector_store %arg8[%swap3A, %swap3A_135], %add3A_134 {strides = array<i32>} : memref<128x256xf32, #tpu.memory_space<vmem>>, vector<128x256xf32>,
    return
  }
  func.func @transform_0(%arg0: i32) -> (i32, i32) {
    %c0_i32 = arith.constant 0 : i32
    %c0_i32_0 = arith.constant 0 : i32
    return %arg0, %c0_i32 : i32, i32
  }
  func.func @transform_1(%arg0: i32) -> (i32, i32) {
    %c0_i32 = arith.constant 0 : i32
    %c0_i32_0 = arith.constant 0 : i32
    return %arg0, %c0_i32 : i32, i32
  }
  func.func @transform_2(%arg0: i32) -> (i32, i32) {
    %c0_i32 = arith.constant 0 : i32
    %c0_i32_0 = arith.constant 0 : i32
    return %arg0, %c0_i32 : i32, i32
  }
  func.func @transform_3(%arg0: i32) -> (i32, i32) {
    %c0_i32 = arith.constant 0 : i32
    %c0_i32_0 = arith.constant 0 : i32
    %c0_i32_1 = arith.constant 0 : i32
    return %c0_i32, %c0_i32_0 : i32, i32
  }
  func.func @transform_4(%arg0: i32) -> (i32, i32) {
    %c0_i32 = arith.constant 0 : i32
    %c0_i32_0 = arith.constant 0 : i32
    %c0_i32_1 = arith.constant 0 : i32
    return %c0_i32, %c0_i32_0 : i32, i32
  }
  func.func @transform_5(%arg0: i32) -> (i32, i32) {
    %c0_i32 = arith.constant 0 : i32
    %c0_i32_0 = arith.constant 0 : i32
    %c0_i32_1 = arith.constant 0 : i32
    return %c0_i32, %c0_i32_0 : i32, i32
  }
  func.func @transform_6(%arg0: i32) -> (i32, i32) {
    %c0_i32 = arith.constant 0 : i32
    %c0_i32_0 = arith.constant 0 : i32
    %c0_i32_1 = arith.constant 0 : i32
    return %c0_i32, %c0_i32_0 : i32, i32
  }
  func.func @transform_7(%arg0: i32) -> (i32, i32) {
    %c0_i32 = arith.constant 0 : i32
    %c0_i32_0 = arith.constant 0 : i32
    return %arg0, %c0_i32 : i32, i32
  }
}

</mosaic_0001>

<sc_bundles>
// kernel: kernel.12.cloned.1.call-start
scs
__scs_entry_jumppad:
0x0: {  	(pc) =	sbr.rel $0x88, $3  }
0x1: {  	(tag) =	ssettag $0x0;
	lr =	simm.s32 $0x1  }
0x2: {  	[smem:$0x3F96] =	sst lr;
	_ =	strace $0xD0000000  }
0x3: {  	_ = 	snop  }
0x4: {  	_ = 	snop  }
0x5: {  	_ = 	snop  }
0x6: {  	_ = 	snop  }
0x7: {  	_ = 	snop  }
__scs_overlays_trampoline_lowered:
0x8: {  	[smem:$0x3FA5] =	sst s0  }
0x9: {  	[smem:$0x3FA6] =	sst s1  }
0xa: {  	[smem:$0x3FA7] =	sst s2  }
0xb: {  	[smem:$0x3FA8] =	sst s3  }
0xc: {  	[smem:$0x3FA9] =	sst s4  }
0xd: {  	[smem:$0x3FAA] =	sst s5  }
0xe: {  	[smem:$0x3FAB] =	sst s6  }
0xf: {  	[smem:$0x3FAC] =	sst s7  }
0x10: {  	[smem:$0x3FAD] =	sst s8  }
0x11: {  	[smem:$0x3FAE] =	sst s9;
	s0 =	simm.s32 @!p0 $0x0  }
0x12: {  	s1 =	sld [smem:$0x3F94];
	s0 =	simm.s32 @p0 $0x1  }
0x13: {  	[smem:$0x3FAF] =	sst s0;
	s0 =	simm.s32 @!p1 $0x0  }
0x14: {  	s2 =	sld [smem:$0x3F93];
	s0 =	simm.s32 @p1 $0x1  }
0x15: {  	[smem:$0x3FB0] =	sst s0;
	s0 =	simm.s32 @!p2 $0x0  }
0x16: {  	s3 =	sld [smem:$0x3FDB];
	s0 =	simm.s32 @p2 $0x1  }
0x17: {  	s4 =	simm.s32 $0x1BF5;
	[smem:$0x3FB2] =	sst s0  }
0x18: {  	s0 =	sld [smem:$0x3F95];
	_ =	swait.ge [sflag:s4], $0x0  }
0x19: {  	s7 =	sld [smem:$0x3F96]  }
0x1a: {  	s8 =	sadd.s32 $0xFFFFE003, lr  }
0x1b: {  	s9 =	sadd.s32 $0xFFFFFEF7, lr;
	s5 =	simm.s32 $0xFFFFFFFF;
	p2 =	slt.u32 s8, $0xFFFFF086  }
0x1c: {  	p1 =	slt.u32 s9, $0xF7A;
	s5 =	simm.s32 @!p2 $0x0  }
0x1d: {  	s5 =	simm.s32 @p1 $0x1;
	p0 =	seq.s32 s7, s2  }
0x1e: {  	s7 =	smul.u32 @!p0 $0xF7A, s2;
	p2 =	seq.s32 @!p0 s5, $0x0  }
0x1f: {  	s9 =	smul.u32 $0xF7A, s1;
	s8 =	simm.s32 @!p0 $0x1BF5;
	p2 =	por !p2, p0  }
0x20: {  	[sflag:s8] =	ssyncset.s32 @!p0 $0xFFFFF086;
	s6 =	sadd.s32 @!p0 s3, s7;
	s7 =	simm.s32 @!p0 $0x108  }
0x21: {  	s3 =	sadd.s32 s3, s9;
	s6 =	sadd.s32 @!p0 $0x88, s6;
	s7 =	simm.s32 @p2 $0x1082  }
0x22: {  	[simem:s7], [sflag:s8] =	dma.local @!p0 [hbm:s6], $0xF7A  }
0x23: {  	s9 =	sor.u32 $0xD0000000, s2;
	s6 =	simm.s32 $0x108;
	_ =	swait.ge @!p0 [sflag:s8], $0x0  }
0x24: {  	s3 =	sadd.s32 $0x88, s3;
	s6 =	simm.s32 @!p1 $0x1082;
	[sflag:s4] =	ssyncset.s32 $0xFFFFF086  }
0x25: {  	[simem:s6], [sflag:s4] =	dma.local [hbm:s3], $0xF7A  }
0x26: {  	[smem:$0x3F96] =	sst s1;
	(tag) =	ssettag s2;
	_ =	strace s9  }
0x27: {  	s1 =	sld [smem:$0x3FA6]  }
0x28: {  	s2 =	sld [smem:$0x3FA7]  }
0x29: {  	s4 =	sld [smem:$0x3FA9]  }
0x2a: {  	p0 =	seq.s32 s5, $0x0;
	s5 =	sld [smem:$0x3FAA]  }
0x2b: {  	s6 =	sld [smem:$0x3FAB]  }
0x2c: {  	s7 =	sld [smem:$0x3FAC]  }
0x2d: {  	s3 =	simm.s32 $0x108;
	s8 =	sld [smem:$0x3FAD]  }
0x2e: {  	s3 =	simm.s32 @!p0 $0x1082;
	s9 =	sld [smem:$0x3FAE]  }
0x2f: {  	lr =	sadd.s32 s0, s3;
	s0 =	sld [smem:$0x3FA5]  }
0x30: {  	s3 =	sld [smem:$0x3FA8]  }
0x31: {  	[smem:$0x3FB1] =	sst s10  }
0x32: {  	s10 =	sld [smem:$0x3FAF];
	_ =	sdelay $0x3  }
0x33: {  	p0 =	seq.s32 s10, $0x1;
	s10 =	sld [smem:$0x3FB1];
	_ =	sdelay $0x3  }
0x34: {  	[smem:$0x3FB1] =	sst s10  }
0x35: {  	s10 =	sld [smem:$0x3FB0];
	_ =	sdelay $0x3  }
0x36: {  	p1 =	seq.s32 s10, $0x1;
	s10 =	sld [smem:$0x3FB1];
	_ =	sdelay $0x3  }
0x37: {  	[smem:$0x3FB1] =	sst s10  }
0x38: {  	s10 =	sld [smem:$0x3FB2]  }
0x39: {  	_ = 	snop;
	(pc) =	sbr.ind lr, $3  }
0x3a: {  	_ = 	snop  }
0x3b: {  	_ = 	snop  }
0x3c: {  	p2 =	seq.s32 s10, $0x1;
	s10 =	sld [smem:$0x3FB1]  }
0x3d: {  	_ =	shalt  }
0x3e: {  	_ =	shalt  }
0x3f: {  	_ =	shalt  }
0x40: {  	_ =	shalt  }
0x41: {  	_ =	shalt  }
0x42: {  	_ =	shalt  }
0x43: {  	_ =	shalt  }
0x44: {  	_ =	shalt  }
0x45: {  	_ =	shalt  }
0x46: {  	_ =	shalt  }
0x47: {  	_ =	shalt  }
0x48: {  	_ =	shalt  }
0x49: {  	_ =	shalt  }
0x4a: {  	_ =	shalt  }
0x4b: {  	_ =	shalt  }
0x4c: {  	_ =	shalt  }
0x4d: {  	_ =	shalt  }
0x4e: {  	_ =	shalt  }
0x4f: {  	_ =	shalt  }
0x50: {  	_ =	shalt  }
0x51: {  	_ =	shalt  }
0x52: {  	_ =	shalt  }
0x53: {  	_ =	shalt  }
0x54: {  	_ =	shalt  }
0x55: {  	_ =	shalt  }
0x56: {  	_ =	shalt  }
0x57: {  	_ =	shalt  }
0x58: {  	_ =	shalt  }
0x59: {  	_ =	shalt  }
0x5a: {  	_ =	shalt  }
0x5b: {  	_ =	shalt  }
0x5c: {  	_ =	shalt  }
0x5d: {  	_ =	shalt  }
0x5e: {  	_ =	shalt  }
0x5f: {  	_ =	shalt  }
0x60: {  	_ =	shalt  }
0x61: {  	_ =	shalt  }
0x62: {  	_ =	shalt  }
0x63: {  	_ =	shalt  }
0x64: {  	_ =	shalt  }
0x65: {  	_ =	shalt  }
0x66: {  	_ =	shalt  }
0x67: {  	_ =	shalt  }
0x68: {  	_ =	shalt  }
0x69: {  	_ =	shalt  }
0x6a: {  	_ =	shalt  }
0x6b: {  	_ =	shalt  }
0x6c: {  	_ =	shalt  }
0x6d: {  	_ =	shalt  }
0x6e: {  	_ =	shalt  }
0x6f: {  	_ =	shalt  }
0x70: {  	_ =	shalt  }
0x71: {  	_ =	shalt  }
0x72: {  	_ =	shalt  }
0x73: {  	_ =	shalt  }
0x74: {  	_ =	shalt  }
0x75: {  	_ =	shalt  }
0x76: {  	_ =	shalt  }
0x77: {  	_ =	shalt  }
0x78: {  	_ =	shalt  }
0x79: {  	_ =	shalt  }
0x7a: {  	_ =	shalt  }
0x7b: {  	_ =	shalt  }
0x7c: {  	_ =	shalt  }
0x7d: {  	_ =	shalt  }
0x7e: {  	_ =	shalt  }
0x7f: {  	_ =	shalt  }
0x80: {  	_ =	shalt  }
0x81: {  	_ =	shalt  }
0x82: {  	_ =	shalt  }
0x83: {  	_ =	shalt  }
0x84: {  	_ =	shalt  }
0x85: {  	_ =	shalt  }
0x86: {  	_ =	shalt  }
0x87: {  	_ =	shalt  }
.Lfunc_end0:
.L_simem_size_0:
called_computation.1_lowered:
.L_overlay_start_0:
0x88: {  	s2 =	sld [smem:$0x3FD9]  }
0x89: {  	s3 =	sld [smem:$0x3FFE];
	_ =	sdelay $0x1  }
0x8a: {  	s1 =	srdreg.scid  }
0x8b: {  	s0 =	sand.u32 $0x1, s1  }
0x8c: {  	s17 =	sshll.u32 s0, $0xA;
	s2 =	sadd.s32 s3, s2  }
0x8d: {  	s2 =	sadd.s32 s2, s17  }
0x8e: {  	[smem:$0x3FBD] =	sst s2  }
0x8f: {  	_ = 	snop  }
0x90: {  	s18 =	sld [smem:$0x3FC6]  }
0x91: {  	s4 =	sld [smem:$0x3FD0];
	(tm) =	ssettm $0x1  }
0x92: {  	s19 =	sld [smem:$0x3FFB];
	_ =	sdelay $0x3  }
0x93: {  	_ =	strace s19  }
0x94: {  	s2 =	sld [smem:$0x3FFC];
	_ =	sdelay $0x3  }
0x95: {  	_ =	strace s2  }
0x96: {  	s2 =	sld [smem:$0x3FFD];
	_ =	sdelay $0x3  }
0x97: {  	_ =	strace s2  }
0x98: {  	_ =	strace $0x8FFFFFFF  }
0x99: {  	s20 =	sld [smem:$0x3FDB];
	_ =	sdelay $0x1  }
0x9a: {  	s5 =	simm.s32 $_scs_section_size  }
0x9b: {  	s6 =	simm.s32 $_size__tile_overlayer_lowered;
	s7 =	simm.s32 $_tile_overlayer_lowered  }
0x9c: {  	s8 =	simm.s32 $0x1BFF;
	s21 =	sshll.u32 s7, $0x1;
	s5 =	sadd.s32 s5, s20  }
0x9d: {  	s22 =	simm.s32 $0x0;
	s6 =	sshll.u32 s6, $0x1;
	s7 =	sadd.s32 s21, s5  }
0x9e: {  	[timem:s22], [sflag:s8] =	dma.local [hbm:s7], s6  }
0x9f: {  	_ =	swait.ge [sflag:s8], s6  }
0xa0: {  	s6 =	ssub.s32 $0x0, s6;
	[sflag:s8] =	ssyncset.done $0x0  }
0xa1: {  	[sflag:s8] =	ssyncadd.s32 s6;
	_ =	sdelay $0x1  }
0xa2: {  	s23 =	simm.s32 $0x1B8B  }
0xa3: {  	_ =	swait.ge [sflag:s23], $0x1  }
0xa4: {  	[sflag:s23] =	ssyncset.done $0x0  }
0xa5: {  	[sflag:s23] =	ssyncadd.s32 $0xFFFFFFFF  }
0xa6: {  	s6 =	sld [smem:$0x0]  }
0xa7: {  	s7 =	sand.u32 $0xFFFFFFFE, s1  }
0xa8: {  	p0 =	sne.s32 s1, s7  }
0xa9: {  	s7 =	sshll.u32 @p0 s7, $0xE  }
0xaa: {  	s7 =	sadd.s32 @p0 $0x11B8D, s7;
	s8 =	sshll.u32 @p0 s6, $0x11  }
0xab: {  	s7 =	sor.u32 @p0 s8, s7  }
0xac: {  	[sflag:s7] =	ssyncadd.remote.s32 @p0 $0x1;
	_ =	sdelay $0x1  }
0xad: {  	s7 =	simm.s32 @p0 $0x1B8D  }
0xae: {  	_ =	swait.eq @p0 [sflag:s7], $0x1  }
0xaf: {  	[sflag:s7] =	ssyncadd.s32 @p0 $0xFFFFFFFF  }
0xb0: {  	s8 =	sshll.u32 @!p0 s1, $0xE  }
0xb1: {  	s8 =	sor.u32 @!p0 $0x4000, s8;
	s7 =	simm.s32 @!p0 $0x1B8D  }
0xb2: {  	s6 =	sshll.u32 @!p0 s6, $0x11;
	s8 =	sadd.s32 @!p0 $0x11B8D, s8;
	_ =	swait.eq @!p0 [sflag:s7], $0x1  }
0xb3: {  	s6 =	sor.u32 @!p0 s6, s8;
	[sflag:s7] =	ssyncadd.s32 @!p0 $0xFFFFFFFF  }
0xb4: {  	s25 =	simm.s32 $0x1B8E;
	s24 =	sld [smem:$0x3FFE];
	[sflag:s6] =	ssyncadd.remote.s32 @!p0 $0x1  }
0xb5: {  	s26 =	simm.s32 $execute0_lowered;
	[smem:$0x3FD2] =	sst s25  }
0xb6: {  	s7 =	sshll.u32 s26, $0x1;
	_ =	strace $0x80000049;
	[dreg:$0x1] =	wrdreg $0xFFFFFFFF  }
0xb7: {  	s28 =	simm.s32 $_size_execute0_lowered;
	s5 =	sadd.s32 s5, s7;
	[dreg:$0x0] =	wrdreg $0x0  }
0xb8: {  	s7 =	sshll.u32 s28, $0x1;
	[dreg:$0x2] =	wrdreg s5  }
0xb9: {  	[dreg:$0x3] =	wrdreg s7  }
0xba: {  	[dreg:$0x4] =	wrdreg $0xC0  }
0xbb: {  	_ =	task [dreg:s22], $0x5FFFF  }
0xbc: {  	[dreg:$0x1] =	wrdreg $0xFFFFFFFF  }
0xbd: {  	[dreg:$0x0] =	wrdreg $0x60  }
0xbe: {  	[dreg:$0x2] =	wrdreg s18  }
0xbf: {  	[dreg:$0x3] =	wrdreg s4  }
0xc0: {  	[dreg:$0x4] =	wrdreg s24  }
0xc1: {  	[dreg:$0x5] =	wrdreg $0xA  }
0xc2: {  	_ =	task.clear_ibuf [dreg:s22], $0x6FFFF;
	_ =	strace $0x90000049  }
0xc3: {  	s29 =	simm.s32 $0xA;
	_ =	strace $0x8000004B  }
0xc4: {  	_ =	swait.ge [sflag:s29], $0x1  }
0xc5: {  	[sflag:s29] =	ssyncadd.s32 $0xFFFFFFFF  }
0xc6: {  	_ =	strace $0x9000004B  }
0xc7: {  	_ =	sfence  }
0xc8: {  	s30 =	sld [smem:$0x0];
	_ =	sdelay $0x2  }
0xc9: {  	s31 =	sshll.u32 s1, $0xD;
	s1 =	sshrl.u32 s1, $0x2  }
0xca: {  	s4 =	sand.u32 $0x4000, s31;
	s1 =	sadd.s32 s1, s30  }
0xcb: {  	s0 =	sor.u32 s4, s0;
	s1 =	sshll.u32 s1, $0x11  }
0xcc: {  	s0 =	sor.u32 s1, s0  }
0xcd: {  	s0 =	sadd.s32 $0x8F2B, s0  }
0xce: {  	[sflag:s0] =	ssyncadd.remote.s32 $0x1  }
0xcf: {  	_ =	sfence.sel $0xFFFF  }
0xd0: {  	[dreg:$0x0] =	wrdreg $0xFFFFFFFF;
	(pc) =	sbr.abs _section_cstart, $3  }
0xd1: {  	[dreg:$0x1] =	wrdreg $0xFFFFFFFF  }
0xd2: {  	_ =	task.clear_ibuf [dreg:s22], $0x2FFFF;
	_ =	strace $0x9FFFFFFF  }
0xd3: {  	(tm) =	ssettm $0x7FFFFFFF  }
tec
execute0_lowered:
.L_overlay_start_1:
0x0: {  	(tag) =	ssettag $0x1  }
0x1: {  	s2 =	rddreg [dreg:$0x0]  }
0x2: {  	s3 =	rddreg [dreg:$0x1]  }
0x3: {  	s0 =	rddreg [dreg:$0x2]  }
0x4: {  	s4 =	srdreg.scid;
	s1 =	stileid.u32  }
0x5: {  	s13 =	simm.s32 $0x1000;
	s5 =	sand.u32 $0x1, s4;
	s4 =	simm.s32 $0x0  }
0x6: {  	s14 =	simm.s32 $0x1800;
	s15 =	simm.s32 $0x2000;
	[smem:$0x7FF] =	sst s4  }
0x7: {  	s17 =	simm.s32 $0x2800;
	_ =	strace $0x8000004A;
	[dreg:$0x6] =	wrdreg s13  }
0x8: {  	s18 =	simm.s32 $0x3000;
	s19 =	simm.s32 $0x3800;
	[dreg:$0x7] =	wrdreg s14  }
0x9: {  	s20 =	simm.s32 $0x4000;
	s21 =	simm.s32 $0x4800;
	[dreg:$0x8] =	wrdreg s15  }
0xa: {  	s22 =	simm.s32 $0x5000;
	s24 =	simm.s32 $0x5800;
	[dreg:$0x9] =	wrdreg s17  }
0xb: {  	s25 =	simm.s32 $0x6000;
	s26 =	simm.s32 $0x6800;
	[dreg:$0xa] =	wrdreg s18  }
0xc: {  	s31 =	simm.s32 $0x7000;
	s9 =	simm.s32 $0x7800;
	[dreg:$0xb] =	wrdreg s19  }
0xd: {  	s10 =	simm.s32 $0x8000;
	s11 =	simm.s32 $0x8800;
	[dreg:$0xc] =	wrdreg s20  }
0xe: {  	s12 =	simm.s32 $0x9000;
	s28 =	simm.s32 $0x1;
	[dreg:$0xd] =	wrdreg s21  }
0xf: {  	s29 =	simm.s32 $0x2;
	s30 =	simm.s32 $0x0;
	[dreg:$0xe] =	wrdreg s22  }
0x10: {  	s6 =	sshll.u32 s1, $0x11;
	s16 =	sshll.u32 s1, $0xC;
	[dreg:$0xf] =	wrdreg s24  }
0x11: {  	s6 =	sadd.s32 s6, s0;
	s7 =	sshll.u32 s5, $0x10;
	[dreg:$0x10] =	wrdreg s25  }
0x12: {  	s8 =	sshll.u32 s5, $0xB;
	s5 =	ssub.s32 $0x2, s5;
	[dreg:$0x11] =	wrdreg s26  }
0x13: {  	s6 =	sadd.s32 s7, s6;
	s23 =	sshrl.u32 s5, $0x1;
	[dreg:$0x12] =	wrdreg s31  }
0x14: {  	s13 =	simm.s32 $0x9800;
	s14 =	simm.s32 $0xA000;
	s15 =	simm.s32 $0xA800  }
0x15: {  	s17 =	simm.s32 $0xB800;
	s18 =	simm.s32 $0xC000;
	s19 =	simm.s32 $0xC800  }
0x16: {  	s20 =	simm.s32 $0xD000;
	s21 =	simm.s32 $0xD800;
	s22 =	simm.s32 $0xE000  }
0x17: {  	s24 =	simm.s32 $0xF000;
	s25 =	simm.s32 $0xF800;
	s7 =	sadd.s32 $0x608A00, s6  }
0x18: {  	s6 =	sadd.s32 $0x408A00, s6;
	[dreg:$0x4] =	wrdreg s7;
	s7 =	sor.u32 s8, s16  }
0x19: {  	s26 =	simm.s32 $0x10000;
	[dreg:$0x5] =	wrdreg s6;
	s7 =	sshrl.u32 s7, $0x3  }
0x1a: {  	v2 =	vlaneseq.u32;
	s8 =	simm.s32 $0x800;
	s16 =	simm.s32 $0xB000;
	s0 =	sadd.s32 s7, s0  }
0x1b: {  	vm0 =	vmmov $0xffff;
	v1 =	vshrl.u32 v2, $0x3;
	s7 =	ssub.s32 s5, s23;
	s23 =	simm.s32 $0xE800;
	s0 =	sadd.s32 $0x406A00, s0  }
0x1c: {  	v0 =	vand.u32 $0x7, v2;
	v2 =	vor.u32 $0x8, v2;
	v1 =	vmul.u32 $0x8, v1;
	s6 =	smax.u32 s7, $0x1;
	s7 =	simm.s32 $0x3;
	[dreg:$0x13] =	wrdreg s0  }
.LBB2_1:
0x1d: {  	s0 =	rddreg [dreg:$0x13]  }
0x1e: {  	[tilespmem:s4], [sflag:$0x3] =	stream.linear.gather [hbm4b:s0+s4], $0x800, $0x38;
	[tilespmem:$0x10800] =	vst v63  }
0x1f: {  	_ =	swait.ge [sflag:s7], $0x800  }
0x20: {  	[sflag:s7] =	ssyncset.done $0x0  }
0x21: {  	s31 =	simm.s32 $0x40;
	s0 =	simm.s32 $0x0;
	[sflag:s7] =	ssyncadd.s32 $0xFFFFF800  }
.LBB2_2:
0x22: {  	v3 =	vld [tilespmem:s31+$0xFFFFFFC0];
	_ =	sdelay $0x4  }
0x23: {  	v4 =	vshll.u32 v3, $0x1  }
0x24: {  	v3 =	vand.u32 $0x7, v3;
	v4 =	vand.u32 $0xFFFFFFF0, v4  }
0x25: {  	v3 =	vor.u32 v3, v4  }
0x26: {  	v4 =	vperm.xlane v3, v0;
	_ =	sdelay $0x1  }
0x27: {  	v3 =	vperm.xlane v3, v2;
	v4 =	vadd.s32 v1, v4;
	_ =	sdelay $0x1  }
0x28: {  	v3 =	vadd.s32 v1, v3;
	_ =	sdelay $0x2  }
0x29: {  	[tilespmem:s8], [sflag:$0x1] =	stream.indirect_vreg.gather [hbm4b:s2+s4], $0x80, v4, vm0, $0xb8;
	[tilespmem:$0x10800] =	vst v63  }
0x2a: {  	s1 =	rddreg [dreg:$0x6]  }
0x2b: {  	[tilespmem:s1], [sflag:$0x1] =	stream.indirect_vreg.gather [hbm4b:s2+s4], $0x80, v3, vm0, $0xb8;
	[tilespmem:$0x10800] =	vst v63  }
0x2c: {  	v3 =	vld [tilespmem:s31+$0xFFFFFFD0];
	_ =	sdelay $0x4  }
0x2d: {  	v49 =	vshll.u32 v3, $0x1  }
0x2e: {  	v3 =	vand.u32 $0x7, v3;
	v4 =	vand.u32 $0xFFFFFFF0, v49  }
0x2f: {  	v3 =	vor.u32 v3, v4  }
0x30: {  	v4 =	vperm.xlane v3, v0;
	_ =	sdelay $0x1  }
0x31: {  	v3 =	vperm.xlane v3, v2;
	v4 =	vadd.s32 v1, v4;
	_ =	sdelay $0x1  }
0x32: {  	v3 =	vadd.s32 v1, v3;
	_ =	sdelay $0x1  }
0x33: {  	s1 =	rddreg [dreg:$0x7]  }
0x34: {  	[tilespmem:s1], [sflag:$0x1] =	stream.indirect_vreg.gather [hbm4b:s2+s4], $0x80, v4, vm0, $0xb8;
	[tilespmem:$0x10800] =	vst v63  }
0x35: {  	s5 =	rddreg [dreg:$0x8]  }
0x36: {  	[tilespmem:s5], [sflag:$0x1] =	stream.indirect_vreg.gather [hbm4b:s2+s4], $0x80, v3, vm0, $0xb8;
	[tilespmem:$0x10800] =	vst v63  }
0x37: {  	v3 =	vld [tilespmem:s31+$0xFFFFFFE0];
	_ =	sdelay $0x4  }
0x38: {  	v50 =	vshll.u32 v3, $0x1  }
0x39: {  	v3 =	vand.u32 $0x7, v3;
	v4 =	vand.u32 $0xFFFFFFF0, v50  }
0x3a: {  	v3 =	vor.u32 v3, v4  }
0x3b: {  	v4 =	vperm.xlane v3, v0;
	_ =	sdelay $0x1  }
0x3c: {  	v3 =	vperm.xlane v3, v2;
	v4 =	vadd.s32 v1, v4;
	_ =	sdelay $0x1  }
0x3d: {  	v3 =	vadd.s32 v1, v3;
	_ =	sdelay $0x1  }
0x3e: {  	s1 =	rddreg [dreg:$0x9]  }
0x3f: {  	[tilespmem:s1], [sflag:$0x1] =	stream.indirect_vreg.gather [hbm4b:s2+s4], $0x80, v4, vm0, $0xb8;
	[tilespmem:$0x10800] =	vst v63  }
0x40: {  	s5 =	rddreg [dreg:$0xa]  }
0x41: {  	[tilespmem:s5], [sflag:$0x1] =	stream.indirect_vreg.gather [hbm4b:s2+s4], $0x80, v3, vm0, $0xb8;
	[tilespmem:$0x10800] =	vst v63  }
0x42: {  	v3 =	vld [tilespmem:s31+$0xFFFFFFF0];
	_ =	sdelay $0x4  }
0x43: {  	v51 =	vshll.u32 v3, $0x1  }
0x44: {  	v3 =	vand.u32 $0x7, v3;
	v4 =	vand.u32 $0xFFFFFFF0, v51  }
0x45: {  	v3 =	vor.u32 v3, v4  }
0x46: {  	v4 =	vperm.xlane v3, v0;
	_ =	sdelay $0x1  }
0x47: {  	v3 =	vperm.xlane v3, v2;
	v4 =	vadd.s32 v1, v4;
	_ =	sdelay $0x1  }
0x48: {  	v3 =	vadd.s32 v1, v3;
	_ =	sdelay $0x1  }
0x49: {  	s1 =	rddreg [dreg:$0xb]  }
0x4a: {  	[tilespmem:s1], [sflag:$0x1] =	stream.indirect_vreg.gather [hbm4b:s2+s4], $0x80, v4, vm0, $0xb8;
	[tilespmem:$0x10800] =	vst v63  }
0x4b: {  	s5 =	rddreg [dreg:$0xc]  }
0x4c: {  	[tilespmem:s5], [sflag:$0x1] =	stream.indirect_vreg.gather [hbm4b:s2+s4], $0x80, v3, vm0, $0xb8;
	[tilespmem:$0x10800] =	vst v63  }
0x4d: {  	v3 =	vld [tilespmem:s31+$0x0];
	_ =	sdelay $0x4  }
0x4e: {  	v52 =	vshll.u32 v3, $0x1  }
0x4f: {  	v3 =	vand.u32 $0x7, v3;
	v4 =	vand.u32 $0xFFFFFFF0, v52  }
0x50: {  	v3 =	vor.u32 v3, v4  }
0x51: {  	v4 =	vperm.xlane v3, v0;
	_ =	sdelay $0x1  }
0x52: {  	v3 =	vperm.xlane v3, v2;
	v4 =	vadd.s32 v1, v4;
	_ =	sdelay $0x1  }
0x53: {  	v3 =	vadd.s32 v1, v3;
	_ =	sdelay $0x1  }
0x54: {  	s1 =	rddreg [dreg:$0xd]  }
0x55: {  	[tilespmem:s1], [sflag:$0x1] =	stream.indirect_vreg.gather [hbm4b:s2+s4], $0x80, v4, vm0, $0xb8;
	[tilespmem:$0x10800] =	vst v63  }
0x56: {  	s5 =	rddreg [dreg:$0xe]  }
0x57: {  	[tilespmem:s5], [sflag:$0x1] =	stream.indirect_vreg.gather [hbm4b:s2+s4], $0x80, v3, vm0, $0xb8;
	[tilespmem:$0x10800] =	vst v63  }
0x58: {  	v3 =	vld [tilespmem:s31+$0x10];
	_ =	sdelay $0x4  }
0x59: {  	v53 =	vshll.u32 v3, $0x1  }
0x5a: {  	v3 =	vand.u32 $0x7, v3;
	v4 =	vand.u32 $0xFFFFFFF0, v53  }
0x5b: {  	v3 =	vor.u32 v3, v4  }
0x5c: {  	v4 =	vperm.xlane v3, v0;
	_ =	sdelay $0x1  }
0x5d: {  	v3 =	vperm.xlane v3, v2;
	v4 =	vadd.s32 v1, v4;
	_ =	sdelay $0x1  }
0x5e: {  	v3 =	vadd.s32 v1, v3;
	_ =	sdelay $0x1  }
0x5f: {  	s1 =	rddreg [dreg:$0xf]  }
0x60: {  	[tilespmem:s1], [sflag:$0x1] =	stream.indirect_vreg.gather [hbm4b:s2+s4], $0x80, v4, vm0, $0xb8;
	[tilespmem:$0x10800] =	vst v63  }
0x61: {  	s5 =	rddreg [dreg:$0x10]  }
0x62: {  	[tilespmem:s5], [sflag:$0x1] =	stream.indirect_vreg.gather [hbm4b:s2+s4], $0x80, v3, vm0, $0xb8;
	[tilespmem:$0x10800] =	vst v63  }
0x63: {  	v3 =	vld [tilespmem:s31+$0x20];
	_ =	sdelay $0x4  }
0x64: {  	v54 =	vshll.u32 v3, $0x1  }
0x65: {  	v3 =	vand.u32 $0x7, v3;
	v4 =	vand.u32 $0xFFFFFFF0, v54  }
0x66: {  	v3 =	vor.u32 v3, v4  }
0x67: {  	v4 =	vperm.xlane v3, v0;
	_ =	sdelay $0x1  }
0x68: {  	v3 =	vperm.xlane v3, v2;
	v4 =	vadd.s32 v1, v4;
	_ =	sdelay $0x1  }
0x69: {  	v3 =	vadd.s32 v1, v3;
	_ =	sdelay $0x1  }
0x6a: {  	s1 =	rddreg [dreg:$0x11]  }
0x6b: {  	[tilespmem:s1], [sflag:$0x1] =	stream.indirect_vreg.gather [hbm4b:s2+s4], $0x80, v4, vm0, $0xb8;
	[tilespmem:$0x10800] =	vst v63  }
0x6c: {  	s5 =	rddreg [dreg:$0x12]  }
0x6d: {  	[tilespmem:s5], [sflag:$0x1] =	stream.indirect_vreg.gather [hbm4b:s2+s4], $0x80, v3, vm0, $0xb8;
	[tilespmem:$0x10800] =	vst v63  }
0x6e: {  	v3 =	vld [tilespmem:s31+$0x30];
	_ =	sdelay $0x4  }
0x6f: {  	v55 =	vshll.u32 v3, $0x1  }
0x70: {  	v3 =	vand.u32 $0x7, v3;
	v4 =	vand.u32 $0xFFFFFFF0, v55  }
0x71: {  	v3 =	vor.u32 v3, v4  }
0x72: {  	v4 =	vperm.xlane v3, v0;
	_ =	sdelay $0x1  }
0x73: {  	v3 =	vperm.xlane v3, v2;
	v4 =	vadd.s32 v1, v4;
	_ =	sdelay $0x1  }
0x74: {  	v3 =	vadd.s32 v1, v3;
	_ =	sdelay $0x2  }
0x75: {  	[tilespmem:s9], [sflag:$0x1] =	stream.indirect_vreg.gather [hbm4b:s2+s4], $0x80, v4, vm0, $0xb8;
	[tilespmem:$0x10800] =	vst v63  }
0x76: {  	_ = 	snop  }
0x77: {  	[tilespmem:s10], [sflag:$0x1] =	stream.indirect_vreg.gather [hbm4b:s2+s4], $0x80, v3, vm0, $0xb8;
	[tilespmem:$0x10800] =	vst v63  }
0x78: {  	v3 =	vld [tilespmem:s31+$0xFFFFFFC0];
	_ =	sdelay $0x4  }
0x79: {  	v56 =	vshll.u32 v3, $0x1  }
0x7a: {  	v3 =	vand.u32 $0x7, v3;
	v4 =	vand.u32 $0xFFFFFFF0, v56  }
0x7b: {  	v3 =	vor.u32 v3, v4  }
0x7c: {  	v4 =	vperm.xlane v3, v0;
	_ =	sdelay $0x1  }
0x7d: {  	v3 =	vperm.xlane v3, v2;
	v4 =	vadd.s32 v1, v4;
	_ =	sdelay $0x1  }
0x7e: {  	v3 =	vadd.s32 v1, v3;
	_ =	sdelay $0x2  }
0x7f: {  	[tilespmem:s11], [sflag:$0x2] =	stream.indirect_vreg.gather [hbm4b:s3+s4], $0x80, v4, vm0, $0xb8;
	[tilespmem:$0x10800] =	vst v63  }
0x80: {  	_ = 	snop  }
0x81: {  	[tilespmem:s12], [sflag:$0x2] =	stream.indirect_vreg.gather [hbm4b:s3+s4], $0x80, v3, vm0, $0xb8;
	[tilespmem:$0x10800] =	vst v63  }
0x82: {  	v3 =	vld [tilespmem:s31+$0xFFFFFFD0];
	_ =	sdelay $0x4  }
0x83: {  	v57 =	vshll.u32 v3, $0x1  }
0x84: {  	v3 =	vand.u32 $0x7, v3;
	v4 =	vand.u32 $0xFFFFFFF0, v57  }
0x85: {  	v3 =	vor.u32 v3, v4  }
0x86: {  	v4 =	vperm.xlane v3, v0;
	_ =	sdelay $0x1  }
0x87: {  	v3 =	vperm.xlane v3, v2;
	v4 =	vadd.s32 v1, v4;
	_ =	sdelay $0x1  }
0x88: {  	v3 =	vadd.s32 v1, v3;
	_ =	sdelay $0x2  }
0x89: {  	[tilespmem:s13], [sflag:$0x2] =	stream.indirect_vreg.gather [hbm4b:s3+s4], $0x80, v4, vm0, $0xb8;
	[tilespmem:$0x10800] =	vst v63  }
0x8a: {  	_ = 	snop  }
0x8b: {  	[tilespmem:s14], [sflag:$0x2] =	stream.indirect_vreg.gather [hbm4b:s3+s4], $0x80, v3, vm0, $0xb8;
	[tilespmem:$0x10800] =	vst v63  }
0x8c: {  	v3 =	vld [tilespmem:s31+$0xFFFFFFE0];
	_ =	sdelay $0x4  }
0x8d: {  	v58 =	vshll.u32 v3, $0x1  }
0x8e: {  	v3 =	vand.u32 $0x7, v3;
	v4 =	vand.u32 $0xFFFFFFF0, v58  }
0x8f: {  	v3 =	vor.u32 v3, v4  }
0x90: {  	v4 =	vperm.xlane v3, v0;
	_ =	sdelay $0x1  }
0x91: {  	v3 =	vperm.xlane v3, v2;
	v4 =	vadd.s32 v1, v4;
	_ =	sdelay $0x1  }
0x92: {  	v3 =	vadd.s32 v1, v3;
	_ =	sdelay $0x2  }
0x93: {  	[tilespmem:s15], [sflag:$0x2] =	stream.indirect_vreg.gather [hbm4b:s3+s4], $0x80, v4, vm0, $0xb8;
	[tilespmem:$0x10800] =	vst v63  }
0x94: {  	_ = 	snop  }
0x95: {  	[tilespmem:s16], [sflag:$0x2] =	stream.indirect_vreg.gather [hbm4b:s3+s4], $0x80, v3, vm0, $0xb8;
	[tilespmem:$0x10800] =	vst v63  }
0x96: {  	v3 =	vld [tilespmem:s31+$0xFFFFFFF0];
	_ =	sdelay $0x4  }
0x97: {  	v59 =	vshll.u32 v3, $0x1  }
0x98: {  	v3 =	vand.u32 $0x7, v3;
	v4 =	vand.u32 $0xFFFFFFF0, v59  }
0x99: {  	v3 =	vor.u32 v3, v4  }
0x9a: {  	v4 =	vperm.xlane v3, v0;
	_ =	sdelay $0x1  }
0x9b: {  	v3 =	vperm.xlane v3, v2;
	v4 =	vadd.s32 v1, v4;
	_ =	sdelay $0x1  }
0x9c: {  	v3 =	vadd.s32 v1, v3;
	_ =	sdelay $0x2  }
0x9d: {  	[tilespmem:s17], [sflag:$0x2] =	stream.indirect_vreg.gather [hbm4b:s3+s4], $0x80, v4, vm0, $0xb8;
	[tilespmem:$0x10800] =	vst v63  }
0x9e: {  	_ = 	snop  }
0x9f: {  	[tilespmem:s18], [sflag:$0x2] =	stream.indirect_vreg.gather [hbm4b:s3+s4], $0x80, v3, vm0, $0xb8;
	[tilespmem:$0x10800] =	vst v63  }
0xa0: {  	v3 =	vld [tilespmem:s31+$0x0];
	_ =	sdelay $0x4  }
0xa1: {  	v60 =	vshll.u32 v3, $0x1  }
0xa2: {  	v3 =	vand.u32 $0x7, v3;
	v4 =	vand.u32 $0xFFFFFFF0, v60  }
0xa3: {  	v3 =	vor.u32 v3, v4  }
0xa4: {  	v4 =	vperm.xlane v3, v0;
	_ =	sdelay $0x1  }
0xa5: {  	v3 =	vperm.xlane v3, v2;
	v4 =	vadd.s32 v1, v4;
	_ =	sdelay $0x1  }
0xa6: {  	v3 =	vadd.s32 v1, v3;
	_ =	sdelay $0x2  }
0xa7: {  	[tilespmem:s19], [sflag:$0x2] =	stream.indirect_vreg.gather [hbm4b:s3+s4], $0x80, v4, vm0, $0xb8;
	[tilespmem:$0x10800] =	vst v63  }
0xa8: {  	_ = 	snop  }
0xa9: {  	[tilespmem:s20], [sflag:$0x2] =	stream.indirect_vreg.gather [hbm4b:s3+s4], $0x80, v3, vm0, $0xb8;
	[tilespmem:$0x10800] =	vst v63  }
0xaa: {  	v3 =	vld [tilespmem:s31+$0x10];
	_ =	sdelay $0x4  }
0xab: {  	v61 =	vshll.u32 v3, $0x1  }
0xac: {  	v3 =	vand.u32 $0x7, v3;
	v4 =	vand.u32 $0xFFFFFFF0, v61  }
0xad: {  	v3 =	vor.u32 v3, v4  }
0xae: {  	v4 =	vperm.xlane v3, v0;
	_ =	sdelay $0x1  }
0xaf: {  	v3 =	vperm.xlane v3, v2;
	v4 =	vadd.s32 v1, v4;
	_ =	sdelay $0x1  }
0xb0: {  	v3 =	vadd.s32 v1, v3;
	_ =	sdelay $0x2  }
0xb1: {  	[tilespmem:s21], [sflag:$0x2] =	stream.indirect_vreg.gather [hbm4b:s3+s4], $0x80, v4, vm0, $0xb8;
	[tilespmem:$0x10800] =	vst v63  }
0xb2: {  	_ = 	snop  }
0xb3: {  	[tilespmem:s22], [sflag:$0x2] =	stream.indirect_vreg.gather [hbm4b:s3+s4], $0x80, v3, vm0, $0xb8;
	[tilespmem:$0x10800] =	vst v63  }
0xb4: {  	v3 =	vld [tilespmem:s31+$0x20];
	_ =	sdelay $0x4  }
0xb5: {  	v62 =	vshll.u32 v3, $0x1  }
0xb6: {  	v3 =	vand.u32 $0x7, v3;
	v4 =	vand.u32 $0xFFFFFFF0, v62  }
0xb7: {  	v3 =	vor.u32 v3, v4  }
0xb8: {  	v4 =	vperm.xlane v3, v0;
	_ =	sdelay $0x1  }
0xb9: {  	v3 =	vperm.xlane v3, v2;
	v4 =	vadd.s32 v1, v4;
	_ =	sdelay $0x1  }
0xba: {  	v3 =	vadd.s32 v1, v3;
	_ =	sdelay $0x2  }
0xbb: {  	[tilespmem:s23], [sflag:$0x2] =	stream.indirect_vreg.gather [hbm4b:s3+s4], $0x80, v4, vm0, $0xb8;
	[tilespmem:$0x10800] =	vst v63  }
0xbc: {  	_ = 	snop  }
0xbd: {  	[tilespmem:s24], [sflag:$0x2] =	stream.indirect_vreg.gather [hbm4b:s3+s4], $0x80, v3, vm0, $0xb8;
	[tilespmem:$0x10800] =	vst v63  }
0xbe: {  	v3 =	vld [tilespmem:s31+$0x30];
	_ =	sdelay $0x4  }
0xbf: {  	v63 =	vshll.u32 v3, $0x1  }
0xc0: {  	v3 =	vand.u32 $0x7, v3;
	v4 =	vand.u32 $0xFFFFFFF0, v63  }
0xc1: {  	v3 =	vor.u32 v3, v4  }
0xc2: {  	v4 =	vperm.xlane v3, v0;
	_ =	sdelay $0x1  }
0xc3: {  	v3 =	vperm.xlane v3, v2;
	v4 =	vadd.s32 v1, v4;
	_ =	sdelay $0x1  }
0xc4: {  	v3 =	vadd.s32 v1, v3;
	_ =	sdelay $0x2  }
0xc5: {  	[tilespmem:s25], [sflag:$0x2] =	stream.indirect_vreg.gather [hbm4b:s3+s4], $0x80, v4, vm0, $0xb8;
	[tilespmem:$0x10800] =	vst v63  }
0xc6: {  	_ = 	snop  }
0xc7: {  	[tilespmem:s26], [sflag:$0x2] =	stream.indirect_vreg.gather [hbm4b:s3+s4], $0x80, v3, vm0, $0xb8;
	[tilespmem:$0x10800] =	vst v63  }
0xc8: {  	_ =	swait.ge [sflag:s28], $0x8000  }
0xc9: {  	[sflag:s28] =	ssyncset.done $0x0  }
0xca: {  	[sflag:s28] =	ssyncadd.s32 $0xFFFF8000  }
0xcb: {  	_ =	swait.ge [sflag:s29], $0x8000  }
0xcc: {  	s5 =	rddreg [dreg:$0x5];
	[sflag:s29] =	ssyncset.done $0x0  }
0xcd: {  	[sflag:s29] =	ssyncadd.s32 $0xFFFF8000;
	s1 =	sadd.s32 s0, s5  }
0xce: {  	[hbm4b:s1+s4] =	stream.linear.scatter [tilespmem:s8], [sflag:$0x3], $0x8000, $0x38;
	[tilespmem:$0x10800] =	vst v63  }
0xcf: {  	_ =	swait.ge [sflag:s7], $0x8000  }
0xd0: {  	p0 =	sne.s32 s0, $0xF000;
	s5 =	rddreg [dreg:$0x4];
	[sflag:s7] =	ssyncset.done $0x0  }
.Ltmp0:
0xd1: {  	[sflag:s7] =	ssyncadd.s32 $0xFFFF8000;
	s1 =	sadd.s32 s0, s5;
	(pc) =	sbr.rel @p0 .LBB2_2-.Ltmp0, $4  }
0xd2: {  	[hbm4b:s1+s4] =	stream.linear.scatter [tilespmem:s11], [sflag:$0x3], $0x8000, $0x38;
	[tilespmem:$0x10800] =	vst v63  }
0xd3: {  	_ =	swait.ge [sflag:s7], $0x8000  }
0xd4: {  	[sflag:s7] =	ssyncset.done $0x0  }
0xd5: {  	s31 =	sadd.s32 $0x80, s31;
	s0 =	sadd.s32 $0x1000, s0;
	[sflag:s7] =	ssyncadd.s32 $0xFFFF8000  }
0xd6: {  	s30 =	sadd.s32 $0x1, s30  }
0xd7: {  	p0 =	sne.s32 s30, s6  }
.Ltmp1:
0xd8: {  	_ = 	snop;
	(pc) =	sbr.rel @p0 .LBB2_1-.Ltmp1, $1  }
0xd9: {  	_ =	sdelay $0x3  }
0xda: {  	_ =	sfence.sel $0x180000  }
0xdb: {  	[bflag:$0x0] =	sbarrier.arrive $0xFFFF  }
0xdc: {  	_ =	strace $0x9000004A  }
0xdd: {  	s0 =	stileid.u32;
	[bflag:$0x2] =	sbarrier.arrive $0xFFFF  }
0xde: {  	p0 =	sne.s32 s0, $0x0;
	s0 =	rddreg [dreg:$0x3]  }
0xdf: {  	s0 =	sadd.s32 @!p0 $0x100000, s0  }
0xe0: {  	[sflag:s0] =	ssyncadd.tile.s32 @!p0 $0x1;
	_ =	shalt  }
.Lfunc_end2:
_tile_overlayer_lowered:
.L_overlay_start_2:
0xe1: {  	(tag) =	ssettag $0x2  }
0xe2: {  	s0 =	rddreg [dreg:$0x0];
	s2 =	stileid.u32  }
0xe3: {  	s1 =	rddreg [dreg:$0x1];
	p0 =	sne.s32 s2, $0x0  }
0xe4: {  	s3 =	rddreg [dreg:$0x2];
	[bflag:$0x3] =	sbarrier.arrive $0xFFFF;
	s2 =	simm.s32 @!p0 $0x1C03  }
0xe5: {  	[timem:s3], [sflag:s2] =	dma.local @!p0 [hbm:s0], s1  }
0xe6: {  	s0 =	simm.s32 @!p0 $0x3  }
0xe7: {  	_ =	swait.ge @!p0 [sflag:s0], s1  }
0xe8: {  	s1 =	ssub.s32 @!p0 $0x0, s1;
	[sflag:s0] =	ssyncset.done @!p0 $0x0  }
0xe9: {  	[sflag:s0] =	ssyncadd.s32 @!p0 s1  }
0xea: {  	[bflag:$0x3] =	sbarrier.arrive $0xFFFF  }
0xeb: {  	_ =	shalt  }

// kernel: kernel.9.cloned.1.call-start
scs
__scs_entry_jumppad:
0x0: {  	(pc) =	sbr.rel $0x88, $3  }
0x1: {  	(tag) =	ssettag $0x0;
	lr =	simm.s32 $0x1  }
0x2: {  	[smem:$0x3F96] =	sst lr;
	_ =	strace $0xD0000000  }
0x3: {  	_ = 	snop  }
0x4: {  	_ = 	snop  }
0x5: {  	_ = 	snop  }
0x6: {  	_ = 	snop  }
0x7: {  	_ = 	snop  }
__scs_overlays_trampoline_lowered:
0x8: {  	[smem:$0x3FA5] =	sst s0  }
0x9: {  	[smem:$0x3FA6] =	sst s1  }
0xa: {  	[smem:$0x3FA7] =	sst s2  }
0xb: {  	[smem:$0x3FA8] =	sst s3  }
0xc: {  	[smem:$0x3FA9] =	sst s4  }
0xd: {  	[smem:$0x3FAA] =	sst s5  }
0xe: {  	[smem:$0x3FAB] =	sst s6  }
0xf: {  	[smem:$0x3FAC] =	sst s7  }
0x10: {  	[smem:$0x3FAD] =	sst s8  }
0x11: {  	[smem:$0x3FAE] =	sst s9;
	s0 =	simm.s32 @!p0 $0x0  }
0x12: {  	s1 =	sld [smem:$0x3F94];
	s0 =	simm.s32 @p0 $0x1  }
0x13: {  	[smem:$0x3FAF] =	sst s0;
	s0 =	simm.s32 @!p1 $0x0  }
0x14: {  	s2 =	sld [smem:$0x3F93];
	s0 =	simm.s32 @p1 $0x1  }
0x15: {  	[smem:$0x3FB0] =	sst s0;
	s0 =	simm.s32 @!p2 $0x0  }
0x16: {  	s3 =	sld [smem:$0x3FDB];
	s0 =	simm.s32 @p2 $0x1  }
0x17: {  	s4 =	simm.s32 $0x1BF5;
	[smem:$0x3FB2] =	sst s0  }
0x18: {  	s0 =	sld [smem:$0x3F95];
	_ =	swait.ge [sflag:s4], $0x0  }
0x19: {  	s7 =	sld [smem:$0x3F96]  }
0x1a: {  	s8 =	sadd.s32 $0xFFFFE003, lr  }
0x1b: {  	s9 =	sadd.s32 $0xFFFFFEF7, lr;
	s5 =	simm.s32 $0xFFFFFFFF;
	p2 =	slt.u32 s8, $0xFFFFF086  }
0x1c: {  	p1 =	slt.u32 s9, $0xF7A;
	s5 =	simm.s32 @!p2 $0x0  }
0x1d: {  	s5 =	simm.s32 @p1 $0x1;
	p0 =	seq.s32 s7, s2  }
0x1e: {  	s7 =	smul.u32 @!p0 $0xF7A, s2;
	p2 =	seq.s32 @!p0 s5, $0x0  }
0x1f: {  	s9 =	smul.u32 $0xF7A, s1;
	s8 =	simm.s32 @!p0 $0x1BF5;
	p2 =	por !p2, p0  }
0x20: {  	[sflag:s8] =	ssyncset.s32 @!p0 $0xFFFFF086;
	s6 =	sadd.s32 @!p0 s3, s7;
	s7 =	simm.s32 @!p0 $0x108  }
0x21: {  	s3 =	sadd.s32 s3, s9;
	s6 =	sadd.s32 @!p0 $0x88, s6;
	s7 =	simm.s32 @p2 $0x1082  }
0x22: {  	[simem:s7], [sflag:s8] =	dma.local @!p0 [hbm:s6], $0xF7A  }
0x23: {  	s9 =	sor.u32 $0xD0000000, s2;
	s6 =	simm.s32 $0x108;
	_ =	swait.ge @!p0 [sflag:s8], $0x0  }
0x24: {  	s3 =	sadd.s32 $0x88, s3;
	s6 =	simm.s32 @!p1 $0x1082;
	[sflag:s4] =	ssyncset.s32 $0xFFFFF086  }
0x25: {  	[simem:s6], [sflag:s4] =	dma.local [hbm:s3], $0xF7A  }
0x26: {  	[smem:$0x3F96] =	sst s1;
	(tag) =	ssettag s2;
	_ =	strace s9  }
0x27: {  	s1 =	sld [smem:$0x3FA6]  }
0x28: {  	s2 =	sld [smem:$0x3FA7]  }
0x29: {  	s4 =	sld [smem:$0x3FA9]  }
0x2a: {  	p0 =	seq.s32 s5, $0x0;
	s5 =	sld [smem:$0x3FAA]  }
0x2b: {  	s6 =	sld [smem:$0x3FAB]  }
0x2c: {  	s7 =	sld [smem:$0x3FAC]  }
0x2d: {  	s3 =	simm.s32 $0x108;
	s8 =	sld [smem:$0x3FAD]  }
0x2e: {  	s3 =	simm.s32 @!p0 $0x1082;
	s9 =	sld [smem:$0x3FAE]  }
0x2f: {  	lr =	sadd.s32 s0, s3;
	s0 =	sld [smem:$0x3FA5]  }
0x30: {  	s3 =	sld [smem:$0x3FA8]  }
0x31: {  	[smem:$0x3FB1] =	sst s10  }
0x32: {  	s10 =	sld [smem:$0x3FAF];
	_ =	sdelay $0x3  }
0x33: {  	p0 =	seq.s32 s10, $0x1;
	s10 =	sld [smem:$0x3FB1];
	_ =	sdelay $0x3  }
0x34: {  	[smem:$0x3FB1] =	sst s10  }
0x35: {  	s10 =	sld [smem:$0x3FB0];
	_ =	sdelay $0x3  }
0x36: {  	p1 =	seq.s32 s10, $0x1;
	s10 =	sld [smem:$0x3FB1];
	_ =	sdelay $0x3  }
0x37: {  	[smem:$0x3FB1] =	sst s10  }
0x38: {  	s10 =	sld [smem:$0x3FB2]  }
0x39: {  	_ = 	snop;
	(pc) =	sbr.ind lr, $3  }
0x3a: {  	_ = 	snop  }
0x3b: {  	_ = 	snop  }
0x3c: {  	p2 =	seq.s32 s10, $0x1;
	s10 =	sld [smem:$0x3FB1]  }
0x3d: {  	_ =	shalt  }
0x3e: {  	_ =	shalt  }
0x3f: {  	_ =	shalt  }
0x40: {  	_ =	shalt  }
0x41: {  	_ =	shalt  }
0x42: {  	_ =	shalt  }
0x43: {  	_ =	shalt  }
0x44: {  	_ =	shalt  }
0x45: {  	_ =	shalt  }
0x46: {  	_ =	shalt  }
0x47: {  	_ =	shalt  }
0x48: {  	_ =	shalt  }
0x49: {  	_ =	shalt  }
0x4a: {  	_ =	shalt  }
0x4b: {  	_ =	shalt  }
0x4c: {  	_ =	shalt  }
0x4d: {  	_ =	shalt  }
0x4e: {  	_ =	shalt  }
0x4f: {  	_ =	shalt  }
0x50: {  	_ =	shalt  }
0x51: {  	_ =	shalt  }
0x52: {  	_ =	shalt  }
0x53: {  	_ =	shalt  }
0x54: {  	_ =	shalt  }
0x55: {  	_ =	shalt  }
0x56: {  	_ =	shalt  }
0x57: {  	_ =	shalt  }
0x58: {  	_ =	shalt  }
0x59: {  	_ =	shalt  }
0x5a: {  	_ =	shalt  }
0x5b: {  	_ =	shalt  }
0x5c: {  	_ =	shalt  }
0x5d: {  	_ =	shalt  }
0x5e: {  	_ =	shalt  }
0x5f: {  	_ =	shalt  }
0x60: {  	_ =	shalt  }
0x61: {  	_ =	shalt  }
0x62: {  	_ =	shalt  }
0x63: {  	_ =	shalt  }
0x64: {  	_ =	shalt  }
0x65: {  	_ =	shalt  }
0x66: {  	_ =	shalt  }
0x67: {  	_ =	shalt  }
0x68: {  	_ =	shalt  }
0x69: {  	_ =	shalt  }
0x6a: {  	_ =	shalt  }
0x6b: {  	_ =	shalt  }
0x6c: {  	_ =	shalt  }
0x6d: {  	_ =	shalt  }
0x6e: {  	_ =	shalt  }
0x6f: {  	_ =	shalt  }
0x70: {  	_ =	shalt  }
0x71: {  	_ =	shalt  }
0x72: {  	_ =	shalt  }
0x73: {  	_ =	shalt  }
0x74: {  	_ =	shalt  }
0x75: {  	_ =	shalt  }
0x76: {  	_ =	shalt  }
0x77: {  	_ =	shalt  }
0x78: {  	_ =	shalt  }
0x79: {  	_ =	shalt  }
0x7a: {  	_ =	shalt  }
0x7b: {  	_ =	shalt  }
0x7c: {  	_ =	shalt  }
0x7d: {  	_ =	shalt  }
0x7e: {  	_ =	shalt  }
0x7f: {  	_ =	shalt  }
0x80: {  	_ =	shalt  }
0x81: {  	_ =	shalt  }
0x82: {  	_ =	shalt  }
0x83: {  	_ =	shalt  }
0x84: {  	_ =	shalt  }
0x85: {  	_ =	shalt  }
0x86: {  	_ =	shalt  }
0x87: {  	_ =	shalt  }
.Lfunc_end0:
.L_simem_size_0:
called_computation_lowered:
.L_overlay_start_0:
0x88: {  	s2 =	sld [smem:$0x3FD9]  }
0x89: {  	s3 =	sld [smem:$0x3FFE];
	_ =	sdelay $0x1  }
0x8a: {  	s1 =	srdreg.scid  }
0x8b: {  	s0 =	sand.u32 $0x1, s1  }
0x8c: {  	s17 =	sshll.u32 s0, $0xA;
	s2 =	sadd.s32 s3, s2  }
0x8d: {  	s2 =	sadd.s32 s2, s17  }
0x8e: {  	[smem:$0x3FBD] =	sst s2  }
0x8f: {  	_ = 	snop  }
0x90: {  	s2 =	sld [smem:$0x3FC6]  }
0x91: {  	s18 =	sld [smem:$0x3FD0];
	(tm) =	ssettm $0x1  }
0x92: {  	s4 =	sld [smem:$0x3FFB];
	_ =	sdelay $0x3  }
0x93: {  	_ =	strace s4  }
0x94: {  	s4 =	sld [smem:$0x3FFC];
	_ =	sdelay $0x3  }
0x95: {  	_ =	strace s4  }
0x96: {  	s4 =	sld [smem:$0x3FFD];
	_ =	sdelay $0x3  }
0x97: {  	_ =	strace s4  }
0x98: {  	_ =	strace $0x8FFFFFFF  }
0x99: {  	s19 =	sld [smem:$0x3FDB];
	_ =	sdelay $0x1  }
0x9a: {  	s5 =	simm.s32 $_scs_section_size  }
0x9b: {  	s6 =	simm.s32 $_size__tile_overlayer_lowered;
	s7 =	simm.s32 $_tile_overlayer_lowered  }
0x9c: {  	s22 =	simm.s32 $0x1BFF;
	s21 =	sshll.u32 s7, $0x1;
	s4 =	sadd.s32 s5, s19  }
0x9d: {  	s8 =	simm.s32 $0x0;
	s20 =	sshll.u32 s6, $0x1;
	s6 =	sadd.s32 s21, s4  }
0x9e: {  	[timem:s8], [sflag:s22] =	dma.local [hbm:s6], s20  }
0x9f: {  	_ =	swait.ge [sflag:s22], s20  }
0xa0: {  	s5 =	ssub.s32 $0x0, s20;
	[sflag:s22] =	ssyncset.done $0x0  }
0xa1: {  	[sflag:s22] =	ssyncadd.s32 s5;
	_ =	sdelay $0x1  }
0xa2: {  	s23 =	simm.s32 $0x1B8B  }
0xa3: {  	_ =	swait.ge [sflag:s23], $0x1  }
0xa4: {  	[sflag:s23] =	ssyncset.done $0x0  }
0xa5: {  	s25 =	simm.s32 $0x1B8E;
	s24 =	sld [smem:$0x3FFE];
	[sflag:s23] =	ssyncadd.s32 $0xFFFFFFFF  }
0xa6: {  	s26 =	simm.s32 $execute0_lowered;
	[smem:$0x3FD2] =	sst s25  }
0xa7: {  	s6 =	sshll.u32 s26, $0x1;
	_ =	strace $0x80000046;
	[dreg:$0x1] =	wrdreg $0xFFFFFFFF  }
0xa8: {  	s28 =	simm.s32 $_size_execute0_lowered;
	s4 =	sadd.s32 s4, s6;
	[dreg:$0x0] =	wrdreg $0x0  }
0xa9: {  	s6 =	sshll.u32 s28, $0x1;
	[dreg:$0x2] =	wrdreg s4  }
0xaa: {  	[dreg:$0x3] =	wrdreg s6  }
0xab: {  	[dreg:$0x4] =	wrdreg $0xC0  }
0xac: {  	_ =	task [dreg:s8], $0x5FFFF  }
0xad: {  	[dreg:$0x1] =	wrdreg $0xFFFFFFFF  }
0xae: {  	[dreg:$0x0] =	wrdreg $0x60  }
0xaf: {  	[dreg:$0x2] =	wrdreg s2  }
0xb0: {  	[dreg:$0x3] =	wrdreg s18  }
0xb1: {  	[dreg:$0x4] =	wrdreg s24  }
0xb2: {  	[dreg:$0x5] =	wrdreg $0x9  }
0xb3: {  	_ =	task.clear_ibuf [dreg:s8], $0x6FFFF;
	_ =	strace $0x90000046  }
0xb4: {  	s29 =	simm.s32 $0x9;
	_ =	strace $0x80000048  }
0xb5: {  	_ =	swait.ge [sflag:s29], $0x1  }
0xb6: {  	[sflag:s29] =	ssyncadd.s32 $0xFFFFFFFF  }
0xb7: {  	_ =	strace $0x90000048  }
0xb8: {  	_ =	sfence  }
0xb9: {  	s30 =	sld [smem:$0x0];
	_ =	sdelay $0x2  }
0xba: {  	s31 =	sshll.u32 s1, $0xD;
	s1 =	sshrl.u32 s1, $0x2  }
0xbb: {  	s3 =	sand.u32 $0x4000, s31;
	s1 =	sadd.s32 s1, s30  }
0xbc: {  	s0 =	sor.u32 s3, s0;
	s1 =	sshll.u32 s1, $0x11  }
0xbd: {  	s0 =	sor.u32 s1, s0  }
0xbe: {  	s0 =	sadd.s32 $0x8F2B, s0  }
0xbf: {  	[sflag:s0] =	ssyncadd.remote.s32 $0x1  }
0xc0: {  	_ =	sfence.sel $0xFFFF  }
0xc1: {  	[dreg:$0x0] =	wrdreg $0xFFFFFFFF;
	(pc) =	sbr.abs _section_cstart, $3  }
0xc2: {  	[dreg:$0x1] =	wrdreg $0xFFFFFFFF  }
0xc3: {  	_ =	task.clear_ibuf [dreg:s8], $0x2FFFF;
	_ =	strace $0x9FFFFFFF  }
0xc4: {  	(tm) =	ssettm $0x7FFFFFFF  }
0xc5: {  	_ =	shalt  }
tec
execute0_lowered:
.L_overlay_start_1:
0x0: {  	(tag) =	ssettag $0x1  }
0x1: {  	s2 =	rddreg [dreg:$0x0]  }
0x2: {  	s3 =	rddreg [dreg:$0x1]  }
0x3: {  	s0 =	rddreg [dreg:$0x2]  }
0x4: {  	s4 =	srdreg.scid;
	s1 =	stileid.u32  }
0x5: {  	s13 =	simm.s32 $0x1000;
	s5 =	sand.u32 $0x1, s4;
	s4 =	simm.s32 $0x0  }
0x6: {  	s14 =	simm.s32 $0x1800;
	s15 =	simm.s32 $0x2000;
	[smem:$0x7FF] =	sst s4  }
0x7: {  	s17 =	simm.s32 $0x2800;
	_ =	strace $0x80000047;
	[dreg:$0x6] =	wrdreg s13  }
0x8: {  	s18 =	simm.s32 $0x3000;
	s19 =	simm.s32 $0x3800;
	[dreg:$0x7] =	wrdreg s14  }
0x9: {  	s20 =	simm.s32 $0x4000;
	s21 =	simm.s32 $0x4800;
	[dreg:$0x8] =	wrdreg s15  }
0xa: {  	s22 =	simm.s32 $0x5000;
	s24 =	simm.s32 $0x5800;
	[dreg:$0x9] =	wrdreg s17  }
0xb: {  	s25 =	simm.s32 $0x6000;
	s26 =	simm.s32 $0x6800;
	[dreg:$0xa] =	wrdreg s18  }
0xc: {  	s31 =	simm.s32 $0x7000;
	s9 =	simm.s32 $0x7800;
	[dreg:$0xb] =	wrdreg s19  }
0xd: {  	s10 =	simm.s32 $0x8000;
	s11 =	simm.s32 $0x8800;
	[dreg:$0xc] =	wrdreg s20  }
0xe: {  	s12 =	simm.s32 $0x9000;
	s28 =	simm.s32 $0x1;
	[dreg:$0xd] =	wrdreg s21  }
0xf: {  	s29 =	simm.s32 $0x2;
	s30 =	simm.s32 $0x0;
	[dreg:$0xe] =	wrdreg s22  }
0x10: {  	s6 =	sshll.u32 s1, $0x11;
	s16 =	sshll.u32 s1, $0xC;
	[dreg:$0xf] =	wrdreg s24  }
0x11: {  	s6 =	sadd.s32 s6, s0;
	s7 =	sshll.u32 s5, $0x10;
	[dreg:$0x10] =	wrdreg s25  }
0x12: {  	s8 =	sshll.u32 s5, $0xB;
	s5 =	ssub.s32 $0x2, s5;
	[dreg:$0x11] =	wrdreg s26  }
0x13: {  	s6 =	sadd.s32 s7, s6;
	s23 =	sshrl.u32 s5, $0x1;
	[dreg:$0x12] =	wrdreg s31  }
0x14: {  	s13 =	simm.s32 $0x9800;
	s14 =	simm.s32 $0xA000;
	s15 =	simm.s32 $0xA800  }
0x15: {  	s17 =	simm.s32 $0xB800;
	s18 =	simm.s32 $0xC000;
	s19 =	simm.s32 $0xC800  }
0x16: {  	s20 =	simm.s32 $0xD000;
	s21 =	simm.s32 $0xD800;
	s22 =	simm.s32 $0xE000  }
0x17: {  	s24 =	simm.s32 $0xF000;
	s25 =	simm.s32 $0xF800;
	s7 =	sadd.s32 $0x206A00, s6  }
0x18: {  	s6 =	sadd.s32 $0x6A00, s6;
	[dreg:$0x4] =	wrdreg s7;
	s7 =	sor.u32 s8, s16  }
0x19: {  	s26 =	simm.s32 $0x10000;
	[dreg:$0x5] =	wrdreg s6;
	s7 =	sshrl.u32 s7, $0x3  }
0x1a: {  	v2 =	vlaneseq.u32;
	s8 =	simm.s32 $0x800;
	s16 =	simm.s32 $0xB000;
	s0 =	sadd.s32 s7, s0  }
0x1b: {  	vm0 =	vmmov $0xffff;
	v1 =	vshrl.u32 v2, $0x3;
	s7 =	ssub.s32 s5, s23;
	s23 =	simm.s32 $0xE800;
	s0 =	sadd.s32 $0x4A00, s0  }
0x1c: {  	v0 =	vand.u32 $0x7, v2;
	v2 =	vor.u32 $0x8, v2;
	v1 =	vmul.u32 $0x8, v1;
	s6 =	smax.u32 s7, $0x1;
	s7 =	simm.s32 $0x3;
	[dreg:$0x13] =	wrdreg s0  }
.LBB2_1:
0x1d: {  	s0 =	rddreg [dreg:$0x13]  }
0x1e: {  	[tilespmem:s4], [sflag:$0x3] =	stream.linear.gather [hbm4b:s0+s4], $0x800, $0x38;
	[tilespmem:$0x10800] =	vst v63  }
0x1f: {  	_ =	swait.ge [sflag:s7], $0x800  }
0x20: {  	[sflag:s7] =	ssyncset.done $0x0  }
0x21: {  	s31 =	simm.s32 $0x40;
	s0 =	simm.s32 $0x0;
	[sflag:s7] =	ssyncadd.s32 $0xFFFFF800  }
.LBB2_2:
0x22: {  	v3 =	vld [tilespmem:s31+$0xFFFFFFC0];
	_ =	sdelay $0x4  }
0x23: {  	v4 =	vshll.u32 v3, $0x1  }
0x24: {  	v3 =	vand.u32 $0x7, v3;
	v4 =	vand.u32 $0xFFFFFFF0, v4  }
0x25: {  	v3 =	vor.u32 v3, v4  }
0x26: {  	v4 =	vperm.xlane v3, v0;
	_ =	sdelay $0x1  }
0x27: {  	v3 =	vperm.xlane v3, v2;
	v4 =	vadd.s32 v1, v4;
	_ =	sdelay $0x1  }
0x28: {  	v3 =	vadd.s32 v1, v3;
	_ =	sdelay $0x2  }
0x29: {  	[tilespmem:s8], [sflag:$0x1] =	stream.indirect_vreg.gather [hbm4b:s2+s4], $0x80, v4, vm0, $0xb8;
	[tilespmem:$0x10800] =	vst v63  }
0x2a: {  	s1 =	rddreg [dreg:$0x6]  }
0x2b: {  	[tilespmem:s1], [sflag:$0x1] =	stream.indirect_vreg.gather [hbm4b:s2+s4], $0x80, v3, vm0, $0xb8;
	[tilespmem:$0x10800] =	vst v63  }
0x2c: {  	v3 =	vld [tilespmem:s31+$0xFFFFFFD0];
	_ =	sdelay $0x4  }
0x2d: {  	v49 =	vshll.u32 v3, $0x1  }
0x2e: {  	v3 =	vand.u32 $0x7, v3;
	v4 =	vand.u32 $0xFFFFFFF0, v49  }
0x2f: {  	v3 =	vor.u32 v3, v4  }
0x30: {  	v4 =	vperm.xlane v3, v0;
	_ =	sdelay $0x1  }
0x31: {  	v3 =	vperm.xlane v3, v2;
	v4 =	vadd.s32 v1, v4;
	_ =	sdelay $0x1  }
0x32: {  	v3 =	vadd.s32 v1, v3;
	_ =	sdelay $0x1  }
0x33: {  	s1 =	rddreg [dreg:$0x7]  }
0x34: {  	[tilespmem:s1], [sflag:$0x1] =	stream.indirect_vreg.gather [hbm4b:s2+s4], $0x80, v4, vm0, $0xb8;
	[tilespmem:$0x10800] =	vst v63  }
0x35: {  	s5 =	rddreg [dreg:$0x8]  }
0x36: {  	[tilespmem:s5], [sflag:$0x1] =	stream.indirect_vreg.gather [hbm4b:s2+s4], $0x80, v3, vm0, $0xb8;
	[tilespmem:$0x10800] =	vst v63  }
0x37: {  	v3 =	vld [tilespmem:s31+$0xFFFFFFE0];
	_ =	sdelay $0x4  }
0x38: {  	v50 =	vshll.u32 v3, $0x1  }
0x39: {  	v3 =	vand.u32 $0x7, v3;
	v4 =	vand.u32 $0xFFFFFFF0, v50  }
0x3a: {  	v3 =	vor.u32 v3, v4  }
0x3b: {  	v4 =	vperm.xlane v3, v0;
	_ =	sdelay $0x1  }
0x3c: {  	v3 =	vperm.xlane v3, v2;
	v4 =	vadd.s32 v1, v4;
	_ =	sdelay $0x1  }
0x3d: {  	v3 =	vadd.s32 v1, v3;
	_ =	sdelay $0x1  }
0x3e: {  	s1 =	rddreg [dreg:$0x9]  }
0x3f: {  	[tilespmem:s1], [sflag:$0x1] =	stream.indirect_vreg.gather [hbm4b:s2+s4], $0x80, v4, vm0, $0xb8;
	[tilespmem:$0x10800] =	vst v63  }
0x40: {  	s5 =	rddreg [dreg:$0xa]  }
0x41: {  	[tilespmem:s5], [sflag:$0x1] =	stream.indirect_vreg.gather [hbm4b:s2+s4], $0x80, v3, vm0, $0xb8;
	[tilespmem:$0x10800] =	vst v63  }
0x42: {  	v3 =	vld [tilespmem:s31+$0xFFFFFFF0];
	_ =	sdelay $0x4  }
0x43: {  	v51 =	vshll.u32 v3, $0x1  }
0x44: {  	v3 =	vand.u32 $0x7, v3;
	v4 =	vand.u32 $0xFFFFFFF0, v51  }
0x45: {  	v3 =	vor.u32 v3, v4  }
0x46: {  	v4 =	vperm.xlane v3, v0;
	_ =	sdelay $0x1  }
0x47: {  	v3 =	vperm.xlane v3, v2;
	v4 =	vadd.s32 v1, v4;
	_ =	sdelay $0x1  }
0x48: {  	v3 =	vadd.s32 v1, v3;
	_ =	sdelay $0x1  }
0x49: {  	s1 =	rddreg [dreg:$0xb]  }
0x4a: {  	[tilespmem:s1], [sflag:$0x1] =	stream.indirect_vreg.gather [hbm4b:s2+s4], $0x80, v4, vm0, $0xb8;
	[tilespmem:$0x10800] =	vst v63  }
0x4b: {  	s5 =	rddreg [dreg:$0xc]  }
0x4c: {  	[tilespmem:s5], [sflag:$0x1] =	stream.indirect_vreg.gather [hbm4b:s2+s4], $0x80, v3, vm0, $0xb8;
	[tilespmem:$0x10800] =	vst v63  }
0x4d: {  	v3 =	vld [tilespmem:s31+$0x0];
	_ =	sdelay $0x4  }
0x4e: {  	v52 =	vshll.u32 v3, $0x1  }
0x4f: {  	v3 =	vand.u32 $0x7, v3;
	v4 =	vand.u32 $0xFFFFFFF0, v52  }
0x50: {  	v3 =	vor.u32 v3, v4  }
0x51: {  	v4 =	vperm.xlane v3, v0;
	_ =	sdelay $0x1  }
0x52: {  	v3 =	vperm.xlane v3, v2;
	v4 =	vadd.s32 v1, v4;
	_ =	sdelay $0x1  }
0x53: {  	v3 =	vadd.s32 v1, v3;
	_ =	sdelay $0x1  }
0x54: {  	s1 =	rddreg [dreg:$0xd]  }
0x55: {  	[tilespmem:s1], [sflag:$0x1] =	stream.indirect_vreg.gather [hbm4b:s2+s4], $0x80, v4, vm0, $0xb8;
	[tilespmem:$0x10800] =	vst v63  }
0x56: {  	s5 =	rddreg [dreg:$0xe]  }
0x57: {  	[tilespmem:s5], [sflag:$0x1] =	stream.indirect_vreg.gather [hbm4b:s2+s4], $0x80, v3, vm0, $0xb8;
	[tilespmem:$0x10800] =	vst v63  }
0x58: {  	v3 =	vld [tilespmem:s31+$0x10];
	_ =	sdelay $0x4  }
0x59: {  	v53 =	vshll.u32 v3, $0x1  }
0x5a: {  	v3 =	vand.u32 $0x7, v3;
	v4 =	vand.u32 $0xFFFFFFF0, v53  }
0x5b: {  	v3 =	vor.u32 v3, v4  }
0x5c: {  	v4 =	vperm.xlane v3, v0;
	_ =	sdelay $0x1  }
0x5d: {  	v3 =	vperm.xlane v3, v2;
	v4 =	vadd.s32 v1, v4;
	_ =	sdelay $0x1  }
0x5e: {  	v3 =	vadd.s32 v1, v3;
	_ =	sdelay $0x1  }
0x5f: {  	s1 =	rddreg [dreg:$0xf]  }
0x60: {  	[tilespmem:s1], [sflag:$0x1] =	stream.indirect_vreg.gather [hbm4b:s2+s4], $0x80, v4, vm0, $0xb8;
	[tilespmem:$0x10800] =	vst v63  }
0x61: {  	s5 =	rddreg [dreg:$0x10]  }
0x62: {  	[tilespmem:s5], [sflag:$0x1] =	stream.indirect_vreg.gather [hbm4b:s2+s4], $0x80, v3, vm0, $0xb8;
	[tilespmem:$0x10800] =	vst v63  }
0x63: {  	v3 =	vld [tilespmem:s31+$0x20];
	_ =	sdelay $0x4  }
0x64: {  	v54 =	vshll.u32 v3, $0x1  }
0x65: {  	v3 =	vand.u32 $0x7, v3;
	v4 =	vand.u32 $0xFFFFFFF0, v54  }
0x66: {  	v3 =	vor.u32 v3, v4  }
0x67: {  	v4 =	vperm.xlane v3, v0;
	_ =	sdelay $0x1  }
0x68: {  	v3 =	vperm.xlane v3, v2;
	v4 =	vadd.s32 v1, v4;
	_ =	sdelay $0x1  }
0x69: {  	v3 =	vadd.s32 v1, v3;
	_ =	sdelay $0x1  }
0x6a: {  	s1 =	rddreg [dreg:$0x11]  }
0x6b: {  	[tilespmem:s1], [sflag:$0x1] =	stream.indirect_vreg.gather [hbm4b:s2+s4], $0x80, v4, vm0, $0xb8;
	[tilespmem:$0x10800] =	vst v63  }
0x6c: {  	s5 =	rddreg [dreg:$0x12]  }
0x6d: {  	[tilespmem:s5], [sflag:$0x1] =	stream.indirect_vreg.gather [hbm4b:s2+s4], $0x80, v3, vm0, $0xb8;
	[tilespmem:$0x10800] =	vst v63  }
0x6e: {  	v3 =	vld [tilespmem:s31+$0x30];
	_ =	sdelay $0x4  }
0x6f: {  	v55 =	vshll.u32 v3, $0x1  }
0x70: {  	v3 =	vand.u32 $0x7, v3;
	v4 =	vand.u32 $0xFFFFFFF0, v55  }
0x71: {  	v3 =	vor.u32 v3, v4  }
0x72: {  	v4 =	vperm.xlane v3, v0;
	_ =	sdelay $0x1  }
0x73: {  	v3 =	vperm.xlane v3, v2;
	v4 =	vadd.s32 v1, v4;
	_ =	sdelay $0x1  }
0x74: {  	v3 =	vadd.s32 v1, v3;
	_ =	sdelay $0x2  }
0x75: {  	[tilespmem:s9], [sflag:$0x1] =	stream.indirect_vreg.gather [hbm4b:s2+s4], $0x80, v4, vm0, $0xb8;
	[tilespmem:$0x10800] =	vst v63  }
0x76: {  	_ = 	snop  }
0x77: {  	[tilespmem:s10], [sflag:$0x1] =	stream.indirect_vreg.gather [hbm4b:s2+s4], $0x80, v3, vm0, $0xb8;
	[tilespmem:$0x10800] =	vst v63  }
0x78: {  	v3 =	vld [tilespmem:s31+$0xFFFFFFC0];
	_ =	sdelay $0x4  }
0x79: {  	v56 =	vshll.u32 v3, $0x1  }
0x7a: {  	v3 =	vand.u32 $0x7, v3;
	v4 =	vand.u32 $0xFFFFFFF0, v56  }
0x7b: {  	v3 =	vor.u32 v3, v4  }
0x7c: {  	v4 =	vperm.xlane v3, v0;
	_ =	sdelay $0x1  }
0x7d: {  	v3 =	vperm.xlane v3, v2;
	v4 =	vadd.s32 v1, v4;
	_ =	sdelay $0x1  }
0x7e: {  	v3 =	vadd.s32 v1, v3;
	_ =	sdelay $0x2  }
0x7f: {  	[tilespmem:s11], [sflag:$0x2] =	stream.indirect_vreg.gather [hbm4b:s3+s4], $0x80, v4, vm0, $0xb8;
	[tilespmem:$0x10800] =	vst v63  }
0x80: {  	_ = 	snop  }
0x81: {  	[tilespmem:s12], [sflag:$0x2] =	stream.indirect_vreg.gather [hbm4b:s3+s4], $0x80, v3, vm0, $0xb8;
	[tilespmem:$0x10800] =	vst v63  }
0x82: {  	v3 =	vld [tilespmem:s31+$0xFFFFFFD0];
	_ =	sdelay $0x4  }
0x83: {  	v57 =	vshll.u32 v3, $0x1  }
0x84: {  	v3 =	vand.u32 $0x7, v3;
	v4 =	vand.u32 $0xFFFFFFF0, v57  }
0x85: {  	v3 =	vor.u32 v3, v4  }
0x86: {  	v4 =	vperm.xlane v3, v0;
	_ =	sdelay $0x1  }
0x87: {  	v3 =	vperm.xlane v3, v2;
	v4 =	vadd.s32 v1, v4;
	_ =	sdelay $0x1  }
0x88: {  	v3 =	vadd.s32 v1, v3;
	_ =	sdelay $0x2  }
0x89: {  	[tilespmem:s13], [sflag:$0x2] =	stream.indirect_vreg.gather [hbm4b:s3+s4], $0x80, v4, vm0, $0xb8;
	[tilespmem:$0x10800] =	vst v63  }
0x8a: {  	_ = 	snop  }
0x8b: {  	[tilespmem:s14], [sflag:$0x2] =	stream.indirect_vreg.gather [hbm4b:s3+s4], $0x80, v3, vm0, $0xb8;
	[tilespmem:$0x10800] =	vst v63  }
0x8c: {  	v3 =	vld [tilespmem:s31+$0xFFFFFFE0];
	_ =	sdelay $0x4  }
0x8d: {  	v58 =	vshll.u32 v3, $0x1  }
0x8e: {  	v3 =	vand.u32 $0x7, v3;
	v4 =	vand.u32 $0xFFFFFFF0, v58  }
0x8f: {  	v3 =	vor.u32 v3, v4  }
0x90: {  	v4 =	vperm.xlane v3, v0;
	_ =	sdelay $0x1  }
0x91: {  	v3 =	vperm.xlane v3, v2;
	v4 =	vadd.s32 v1, v4;
	_ =	sdelay $0x1  }
0x92: {  	v3 =	vadd.s32 v1, v3;
	_ =	sdelay $0x2  }
0x93: {  	[tilespmem:s15], [sflag:$0x2] =	stream.indirect_vreg.gather [hbm4b:s3+s4], $0x80, v4, vm0, $0xb8;
	[tilespmem:$0x10800] =	vst v63  }
0x94: {  	_ = 	snop  }
0x95: {  	[tilespmem:s16], [sflag:$0x2] =	stream.indirect_vreg.gather [hbm4b:s3+s4], $0x80, v3, vm0, $0xb8;
	[tilespmem:$0x10800] =	vst v63  }
0x96: {  	v3 =	vld [tilespmem:s31+$0xFFFFFFF0];
	_ =	sdelay $0x4  }
0x97: {  	v59 =	vshll.u32 v3, $0x1  }
0x98: {  	v3 =	vand.u32 $0x7, v3;
	v4 =	vand.u32 $0xFFFFFFF0, v59  }
0x99: {  	v3 =	vor.u32 v3, v4  }
0x9a: {  	v4 =	vperm.xlane v3, v0;
	_ =	sdelay $0x1  }
0x9b: {  	v3 =	vperm.xlane v3, v2;
	v4 =	vadd.s32 v1, v4;
	_ =	sdelay $0x1  }
0x9c: {  	v3 =	vadd.s32 v1, v3;
	_ =	sdelay $0x2  }
0x9d: {  	[tilespmem:s17], [sflag:$0x2] =	stream.indirect_vreg.gather [hbm4b:s3+s4], $0x80, v4, vm0, $0xb8;
	[tilespmem:$0x10800] =	vst v63  }
0x9e: {  	_ = 	snop  }
0x9f: {  	[tilespmem:s18], [sflag:$0x2] =	stream.indirect_vreg.gather [hbm4b:s3+s4], $0x80, v3, vm0, $0xb8;
	[tilespmem:$0x10800] =	vst v63  }
0xa0: {  	v3 =	vld [tilespmem:s31+$0x0];
	_ =	sdelay $0x4  }
0xa1: {  	v60 =	vshll.u32 v3, $0x1  }
0xa2: {  	v3 =	vand.u32 $0x7, v3;
	v4 =	vand.u32 $0xFFFFFFF0, v60  }
0xa3: {  	v3 =	vor.u32 v3, v4  }
0xa4: {  	v4 =	vperm.xlane v3, v0;
	_ =	sdelay $0x1  }
0xa5: {  	v3 =	vperm.xlane v3, v2;
	v4 =	vadd.s32 v1, v4;
	_ =	sdelay $0x1  }
0xa6: {  	v3 =	vadd.s32 v1, v3;
	_ =	sdelay $0x2  }
0xa7: {  	[tilespmem:s19], [sflag:$0x2] =	stream.indirect_vreg.gather [hbm4b:s3+s4], $0x80, v4, vm0, $0xb8;
	[tilespmem:$0x10800] =	vst v63  }
0xa8: {  	_ = 	snop  }
0xa9: {  	[tilespmem:s20], [sflag:$0x2] =	stream.indirect_vreg.gather [hbm4b:s3+s4], $0x80, v3, vm0, $0xb8;
	[tilespmem:$0x10800] =	vst v63  }
0xaa: {  	v3 =	vld [tilespmem:s31+$0x10];
	_ =	sdelay $0x4  }
0xab: {  	v61 =	vshll.u32 v3, $0x1  }
0xac: {  	v3 =	vand.u32 $0x7, v3;
	v4 =	vand.u32 $0xFFFFFFF0, v61  }
0xad: {  	v3 =	vor.u32 v3, v4  }
0xae: {  	v4 =	vperm.xlane v3, v0;
	_ =	sdelay $0x1  }
0xaf: {  	v3 =	vperm.xlane v3, v2;
	v4 =	vadd.s32 v1, v4;
	_ =	sdelay $0x1  }
0xb0: {  	v3 =	vadd.s32 v1, v3;
	_ =	sdelay $0x2  }
0xb1: {  	[tilespmem:s21], [sflag:$0x2] =	stream.indirect_vreg.gather [hbm4b:s3+s4], $0x80, v4, vm0, $0xb8;
	[tilespmem:$0x10800] =	vst v63  }
0xb2: {  	_ = 	snop  }
0xb3: {  	[tilespmem:s22], [sflag:$0x2] =	stream.indirect_vreg.gather [hbm4b:s3+s4], $0x80, v3, vm0, $0xb8;
	[tilespmem:$0x10800] =	vst v63  }
0xb4: {  	v3 =	vld [tilespmem:s31+$0x20];
	_ =	sdelay $0x4  }
0xb5: {  	v62 =	vshll.u32 v3, $0x1  }
0xb6: {  	v3 =	vand.u32 $0x7, v3;
	v4 =	vand.u32 $0xFFFFFFF0, v62  }
0xb7: {  	v3 =	vor.u32 v3, v4  }
0xb8: {  	v4 =	vperm.xlane v3, v0;
	_ =	sdelay $0x1  }
0xb9: {  	v3 =	vperm.xlane v3, v2;
	v4 =	vadd.s32 v1, v4;
	_ =	sdelay $0x1  }
0xba: {  	v3 =	vadd.s32 v1, v3;
	_ =	sdelay $0x2  }
0xbb: {  	[tilespmem:s23], [sflag:$0x2] =	stream.indirect_vreg.gather [hbm4b:s3+s4], $0x80, v4, vm0, $0xb8;
	[tilespmem:$0x10800] =	vst v63  }
0xbc: {  	_ = 	snop  }
0xbd: {  	[tilespmem:s24], [sflag:$0x2] =	stream.indirect_vreg.gather [hbm4b:s3+s4], $0x80, v3, vm0, $0xb8;
	[tilespmem:$0x10800] =	vst v63  }
0xbe: {  	v3 =	vld [tilespmem:s31+$0x30];
	_ =	sdelay $0x4  }
0xbf: {  	v63 =	vshll.u32 v3, $0x1  }
0xc0: {  	v3 =	vand.u32 $0x7, v3;
	v4 =	vand.u32 $0xFFFFFFF0, v63  }
0xc1: {  	v3 =	vor.u32 v3, v4  }
0xc2: {  	v4 =	vperm.xlane v3, v0;
	_ =	sdelay $0x1  }
0xc3: {  	v3 =	vperm.xlane v3, v2;
	v4 =	vadd.s32 v1, v4;
	_ =	sdelay $0x1  }
0xc4: {  	v3 =	vadd.s32 v1, v3;
	_ =	sdelay $0x2  }
0xc5: {  	[tilespmem:s25], [sflag:$0x2] =	stream.indirect_vreg.gather [hbm4b:s3+s4], $0x80, v4, vm0, $0xb8;
	[tilespmem:$0x10800] =	vst v63  }
0xc6: {  	_ = 	snop  }
0xc7: {  	[tilespmem:s26], [sflag:$0x2] =	stream.indirect_vreg.gather [hbm4b:s3+s4], $0x80, v3, vm0, $0xb8;
	[tilespmem:$0x10800] =	vst v63  }
0xc8: {  	_ =	swait.ge [sflag:s28], $0x8000  }
0xc9: {  	[sflag:s28] =	ssyncset.done $0x0  }
0xca: {  	[sflag:s28] =	ssyncadd.s32 $0xFFFF8000  }
0xcb: {  	_ =	swait.ge [sflag:s29], $0x8000  }
0xcc: {  	s5 =	rddreg [dreg:$0x5];
	[sflag:s29] =	ssyncset.done $0x0  }
0xcd: {  	[sflag:s29] =	ssyncadd.s32 $0xFFFF8000;
	s1 =	sadd.s32 s0, s5  }
0xce: {  	[hbm4b:s1+s4] =	stream.linear.scatter [tilespmem:s8], [sflag:$0x3], $0x8000, $0x38;
	[tilespmem:$0x10800] =	vst v63  }
0xcf: {  	_ =	swait.ge [sflag:s7], $0x8000  }
0xd0: {  	p0 =	sne.s32 s0, $0xF000;
	s5 =	rddreg [dreg:$0x4];
	[sflag:s7] =	ssyncset.done $0x0  }
.Ltmp0:
0xd1: {  	[sflag:s7] =	ssyncadd.s32 $0xFFFF8000;
	s1 =	sadd.s32 s0, s5;
	(pc) =	sbr.rel @p0 .LBB2_2-.Ltmp0, $4  }
0xd2: {  	[hbm4b:s1+s4] =	stream.linear.scatter [tilespmem:s11], [sflag:$0x3], $0x8000, $0x38;
	[tilespmem:$0x10800] =	vst v63  }
0xd3: {  	_ =	swait.ge [sflag:s7], $0x8000  }
0xd4: {  	[sflag:s7] =	ssyncset.done $0x0  }
0xd5: {  	s31 =	sadd.s32 $0x80, s31;
	s0 =	sadd.s32 $0x1000, s0;
	[sflag:s7] =	ssyncadd.s32 $0xFFFF8000  }
0xd6: {  	s30 =	sadd.s32 $0x1, s30  }
0xd7: {  	p0 =	sne.s32 s30, s6  }
.Ltmp1:
0xd8: {  	_ = 	snop;
	(pc) =	sbr.rel @p0 .LBB2_1-.Ltmp1, $1  }
0xd9: {  	_ =	sdelay $0x3  }
0xda: {  	_ =	sfence.sel $0x180000  }
0xdb: {  	[bflag:$0x0] =	sbarrier.arrive $0xFFFF  }
0xdc: {  	_ =	strace $0x90000047  }
0xdd: {  	s0 =	stileid.u32;
	[bflag:$0x2] =	sbarrier.arrive $0xFFFF  }
0xde: {  	p0 =	sne.s32 s0, $0x0;
	s0 =	rddreg [dreg:$0x3]  }
0xdf: {  	s0 =	sadd.s32 @!p0 $0x100000, s0  }
0xe0: {  	[sflag:s0] =	ssyncadd.tile.s32 @!p0 $0x1;
	_ =	shalt  }
.Lfunc_end2:
_tile_overlayer_lowered:
.L_overlay_start_2:
0xe1: {  	(tag) =	ssettag $0x2  }
0xe2: {  	s0 =	rddreg [dreg:$0x0];
	s2 =	stileid.u32  }
0xe3: {  	s1 =	rddreg [dreg:$0x1];
	p0 =	sne.s32 s2, $0x0  }
0xe4: {  	s3 =	rddreg [dreg:$0x2];
	[bflag:$0x3] =	sbarrier.arrive $0xFFFF;
	s2 =	simm.s32 @!p0 $0x1C03  }
0xe5: {  	[timem:s3], [sflag:s2] =	dma.local @!p0 [hbm:s0], s1  }
0xe6: {  	s0 =	simm.s32 @!p0 $0x3  }
0xe7: {  	_ =	swait.ge @!p0 [sflag:s0], s1  }
0xe8: {  	s1 =	ssub.s32 @!p0 $0x0, s1;
	[sflag:s0] =	ssyncset.done @!p0 $0x0  }
0xe9: {  	[sflag:s0] =	ssyncadd.s32 @!p0 s1  }
0xea: {  	[bflag:$0x3] =	sbarrier.arrive $0xFFFF  }
0xeb: {  	_ =	shalt  }

</sc_bundles>
